<compile_context>
chip_gen: v7x
topology: tpu7x:2x2x1
jax: 0.10.2.dev20260603
libtpu: 0.0.44.dev20260713+nightly
codegen_flags: <defaults>
</compile_context>

<pallas_src>
import jax
import jax.numpy as jnp
from jax import lax
from jax.experimental import pallas as pl
from jax.experimental.pallas import tpu as pltpu
from jax.experimental.pallas import tpu_sc as plsc

B = 4096
S = 200
E = 128
N = B * S

NC = 2
NS = 16
NW = NC * NS
LANES = 16

ROWS_PER_W = N // NW
CHUNK = 128
CHUNKS_PER_W = ROWS_PER_W // CHUNK
GROUP = 4
GROUPS = CHUNKS_PER_W // GROUP


def _body(x_hbm, tok_hbm, pos_hbm, out_hbm,
          idx_v, pos_v, bufs, gsems, ssems):
    cid = lax.axis_index("c")
    sid = lax.axis_index("s")
    wid = sid * NC + cid
    chunk_base = wid * CHUNKS_PER_W

    pltpu.sync_copy(x_hbm.at[pl.ds(chunk_base, CHUNKS_PER_W)], idx_v)
    pltpu.sync_copy(pos_hbm, pos_v)

    for b in range(2):
        pltpu.async_copy(tok_hbm.at[idx_v.at[b]], bufs[b], gsems[b])

    def group_body(g, carry):
        for b in range(GROUP):
            lc = g * GROUP + b
            bj = (b + 2) % GROUP
            j = lc + 2

            @pl.when(j < CHUNKS_PER_W)
            def _():
                @pl.when(j >= GROUP)
                def _():
                    pltpu.make_async_copy(
                        bufs[bj], out_hbm.at[pl.ds(0, CHUNK)],
                        ssems[bj]).wait()
                pltpu.async_copy(tok_hbm.at[idx_v.at[j]], bufs[bj],
                                 gsems[bj])

            pltpu.make_async_copy(tok_hbm.at[idx_v.at[0]], bufs[b],
                                  gsems[b]).wait()
            p0 = lax.rem(lc * CHUNK, S)

            @plsc.parallel_loop(0, CHUNK, unroll=8)
            def row_body(i, p0=p0, buf=bufs[b]):
                q = p0 + i
                p = lax.select(q < S, q, q - S)
                for e in range(E // LANES):
                    sl = pl.ds(e * LANES, LANES)
                    plsc.addupdate(buf.at[i, sl], pos_v[p, sl])

            row0 = wid * ROWS_PER_W + lc * CHUNK
            pltpu.async_copy(bufs[b], out_hbm.at[pl.ds(row0, CHUNK)],
                             ssems[b])
        return carry

    lax.fori_loop(0, GROUPS, group_body, 0)

    for b in range(GROUP):
        pltpu.make_async_copy(bufs[b], out_hbm.at[pl.ds(0, CHUNK)],
                              ssems[b]).wait()


@jax.jit
def _run(x2, token_table, pos_table):
    kfn = pl.kernel(
        _body,
        out_type=jax.ShapeDtypeStruct((N, E), jnp.float32),
        mesh=plsc.VectorSubcoreMesh(core_axis_name="c", subcore_axis_name="s"),
        scratch_types=dict(
            idx_v=pltpu.VMEM((CHUNKS_PER_W, CHUNK), jnp.int32),
            pos_v=pltpu.VMEM((S, E), jnp.float32),
            bufs=[pltpu.VMEM((CHUNK, E), jnp.float32) for _ in range(GROUP)],
            gsems=[pltpu.SemaphoreType.DMA for _ in range(GROUP)],
            ssems=[pltpu.SemaphoreType.DMA for _ in range(GROUP)],
        ),
    )
    return kfn(x2, token_table, pos_table)


def kernel(x, token_table, pos_table):
    b, s = x.shape
    assert (b, s) == (B, S) and token_table.shape[1] == E
    x2 = x.astype(jnp.int32).reshape(N // CHUNK, CHUNK)
    out = _run(x2, token_table, pos_table)
    return out.reshape(B, S, E)

# --- scband reference (transcript-rebuilt; emitter-appended) ---
"""Pipeline reference for scband-token-and-position-embedding-7550552506946 (READ-ONLY COPY).

The authoritative reference and input builder live on the scoring server;
editing this copy changes nothing except your own understanding.
"""

import jax, jax.numpy as jnp
import numpy as np

VOCAB = 100000
MAXLEN = 200
EMBED = 128
BATCH = 4096
SEQ = 200

def setup_inputs(seed: int = 0) -> dict:
    key = jax.random.key(seed)
    k1, k2, k3 = jax.random.split(key, 3)
    x = jax.random.randint(k1, (BATCH, SEQ), 0, VOCAB, dtype=jnp.int64 if jax.config.jax_enable_x64 else jnp.int32)
    token_table = jax.random.normal(k2, (VOCAB, EMBED), dtype=jnp.float32) * 0.02
    pos_table = jax.random.normal(k3, (MAXLEN, EMBED), dtype=jnp.float32) * 0.02
    return {"x": x, "token_table": token_table, "pos_table": pos_table}

def reference(x, token_table, pos_table):
    # positions = range(0, seq_len)
    seq_len = x.shape[-1]
    positions = jnp.arange(seq_len)
    pos = jnp.take(pos_table, positions, axis=0)          # [S, E]
    tok = jnp.take(token_table, x, axis=0)                # [B, S, E]
    return tok + pos[None, :, :]

if __name__ == "__main__":
    import jax
    _d = setup_inputs()
    print(jax.jit(kernel)(*tuple(_d.values())))

</pallas_src>

<mosaic_0001>
#map = affine_map<(d0, d1) -> (0, 0)>
module attributes {stable_mosaic.version = 14 : i64} {
  func.func @_body(%arg0: i32, %arg1: i32, %arg2: memref<6400x128xi32, #tpu.memory_space<hbm>>, %arg3: memref<100000x128xf32, #tpu.memory_space<hbm>>, %arg4: memref<200x128xf32, #tpu.memory_space<hbm>>, %arg5: memref<819200x128xf32, #tpu.memory_space<hbm>>, %arg6: memref<128x128xf32, #tpu.memory_space<vmem>>, %arg7: memref<128x128xf32, #tpu.memory_space<vmem>>, %arg8: memref<128x128xf32, #tpu.memory_space<vmem>>, %arg9: memref<128x128xf32, #tpu.memory_space<vmem>>, %arg10: memref<!tpu.dma_semaphore, #tpu.memory_space<semaphore_mem>>, %arg11: memref<!tpu.dma_semaphore, #tpu.memory_space<semaphore_mem>>, %arg12: memref<!tpu.dma_semaphore, #tpu.memory_space<semaphore_mem>>, %arg13: memref<!tpu.dma_semaphore, #tpu.memory_space<semaphore_mem>>, %arg14: memref<200x128xi32, #tpu.memory_space<vmem>>, %arg15: memref<200x128xf32, #tpu.memory_space<vmem>>, %arg16: memref<!tpu.dma_semaphore, #tpu.memory_space<semaphore_mem>>, %arg17: memref<!tpu.dma_semaphore, #tpu.memory_space<semaphore_mem>>, %arg18: memref<!tpu.dma_semaphore, #tpu.memory_space<semaphore_mem>>, %arg19: memref<!tpu.dma_semaphore, #tpu.memory_space<semaphore_mem>>) attributes {dimension_semantics = [#tpu.dimension_semantics<core_parallel>, #tpu.dimension_semantics<subcore_parallel>], iteration_bounds = array<i64: 2, 16>, scalar_prefetch = 0 : i64, scratch_operands = 14 : i64, tpu.core_type = #tpu.core_type<sc_vector_subcore>, window_params = [{transform_indices = #map}, {transform_indices = #map}, {transform_indices = #map}, {transform_indices = #map}]} {
    %mul3A = arith.constant 2 : i32
    %mul3A_0 = arith.muli %arg1, %mul3A : i32
    %add3A = arith.addi %mul3A_0, %arg0 : i32
    %mul3A_1 = arith.constant 200 : i32
    %mul3A_2 = arith.muli %add3A, %mul3A_1 : i32
    "tpu.region"() ({
      %run_scoped3A = tpu.sem_alloc : memref<!tpu.dma_semaphore, #tpu.memory_space<semaphore_mem>>
      %dma_start3A_44 = arith.constant 0 : i32
      %dma_start3A_45 = tpu.memref_slice %arg2[%mul3A_2, %dma_start3A_44] : memref<6400x128xi32, #tpu.memory_space<hbm>> -> memref<200x128xi32, #tpu.memory_space<hbm>>
      %dma_start3A_46 = arith.constant 0 : i32
      %dma_start3A_47 = tpu.memref_slice %arg2[%mul3A_2, %dma_start3A_46] : memref<6400x128xi32, #tpu.memory_space<hbm>> -> memref<200x128xi32, #tpu.memory_space<hbm>>
      tpu.enqueue_dma source(%dma_start3A_47 : memref<200x128xi32, #tpu.memory_space<hbm>>) target(%arg14 : memref<200x128xi32, #tpu.memory_space<vmem>>) target_semaphore(%run_scoped3A : memref<!tpu.dma_semaphore, #tpu.memory_space<semaphore_mem>>)
      %dma_wait3A_48 = arith.constant 0 : i32
      %dma_wait3A_49 = tpu.memref_slice %arg2[%mul3A_2, %dma_wait3A_48] : memref<6400x128xi32, #tpu.memory_space<hbm>> -> memref<200x128xi32, #tpu.memory_space<hbm>>
      %dma_wait3A_50 = arith.constant 0 : i32
      %dma_wait3A_51 = tpu.memref_slice %arg2[%mul3A_2, %dma_wait3A_50] : memref<6400x128xi32, #tpu.memory_space<hbm>> -> memref<200x128xi32, #tpu.memory_space<hbm>>
      tpu.wait_dma2 semaphore(%run_scoped3A : memref<!tpu.dma_semaphore, #tpu.memory_space<semaphore_mem>>) src(%dma_wait3A_51 : memref<200x128xi32, #tpu.memory_space<hbm>>) dst(%arg14 : memref<200x128xi32, #tpu.memory_space<vmem>>)
      tpu.yield
    }) : () -> ()
    "tpu.region"() ({
      %run_scoped3A = tpu.sem_alloc : memref<!tpu.dma_semaphore, #tpu.memory_space<semaphore_mem>>
      tpu.enqueue_dma source(%arg4 : memref<200x128xf32, #tpu.memory_space<hbm>>) target(%arg15 : memref<200x128xf32, #tpu.memory_space<vmem>>) target_semaphore(%run_scoped3A : memref<!tpu.dma_semaphore, #tpu.memory_space<semaphore_mem>>)
      tpu.wait_dma2 semaphore(%run_scoped3A : memref<!tpu.dma_semaphore, #tpu.memory_space<semaphore_mem>>) src(%arg4 : memref<200x128xf32, #tpu.memory_space<hbm>>) dst(%arg15 : memref<200x128xf32, #tpu.memory_space<vmem>>)
      tpu.yield
    }) : () -> ()
    %dma_start3A = arith.constant 0 : i32
    %dma_start3A_3 = arith.constant 0 : i32
    %dma_start3A_4 = tpu.memref_slice %arg14[%dma_start3A, %dma_start3A_3] : memref<200x128xi32, #tpu.memory_space<vmem>> -> memref<1x128xi32, #tpu.memory_space<vmem>>
    %dma_start3A_5 = tpu.memref_squeeze %dma_start3A_4 : memref<1x128xi32, #tpu.memory_space<vmem>> -> memref<128xi32, #tpu.memory_space<vmem>>
    %dma_start3A_6 = arith.constant 0 : i32
    %dma_start3A_7 = arith.constant 0 : i32
    %dma_start3A_8 = tpu.memref_slice %arg3[%dma_start3A_6, %dma_start3A_7] : memref<100000x128xf32, #tpu.memory_space<hbm>> -> memref<100000x128xf32, #tpu.memory_space<hbm>>
    tpu.enqueue_indirect_dma source(%dma_start3A_8 : memref<100000x128xf32, #tpu.memory_space<hbm>>) target(%arg6 : memref<128x128xf32, #tpu.memory_space<vmem>>) offsets(%dma_start3A_5 : memref<128xi32, #tpu.memory_space<vmem>>) semaphore(%arg10 : memref<!tpu.dma_semaphore, #tpu.memory_space<semaphore_mem>>)
    %dma_start3A_9 = arith.constant 1 : i32
    %dma_start3A_10 = arith.constant 0 : i32
    %dma_start3A_11 = tpu.memref_slice %arg14[%dma_start3A_9, %dma_start3A_10] : memref<200x128xi32, #tpu.memory_space<vmem>> -> memref<1x128xi32, #tpu.memory_space<vmem>>
    %dma_start3A_12 = tpu.memref_squeeze %dma_start3A_11 : memref<1x128xi32, #tpu.memory_space<vmem>> -> memref<128xi32, #tpu.memory_space<vmem>>
    %dma_start3A_13 = arith.constant 0 : i32
    %dma_start3A_14 = arith.constant 0 : i32
    %dma_start3A_15 = tpu.memref_slice %arg3[%dma_start3A_13, %dma_start3A_14] : memref<100000x128xf32, #tpu.memory_space<hbm>> -> memref<100000x128xf32, #tpu.memory_space<hbm>>
    tpu.enqueue_indirect_dma source(%dma_start3A_15 : memref<100000x128xf32, #tpu.memory_space<hbm>>) target(%arg7 : memref<128x128xf32, #tpu.memory_space<vmem>>) offsets(%dma_start3A_12 : memref<128xi32, #tpu.memory_space<vmem>>) semaphore(%arg11 : memref<!tpu.dma_semaphore, #tpu.memory_space<semaphore_mem>>)
    %scan3A = arith.constant 0 : i32
    %scan3A_16 = arith.constant 0 : i32
    %scan3A_17 = arith.constant 50 : i32
    %scan3A_18 = arith.addi %scan3A_16, %scan3A_17 : i32
    %scan3A_19 = arith.constant 1 : i32
    scf.for %scan3A_44 = %scan3A_16 to %scan3A_18 step %scan3A_19  : i32 {
      %mul3A_45 = arith.constant 4 : i32
      %mul3A_46 = arith.muli %scan3A_44, %mul3A_45 : i32
      %add3A_47 = arith.constant 0 : i32
      %add3A_48 = arith.addi %mul3A_46, %add3A_47 : i32
      %add3A_49 = arith.constant 2 : i32
      %add3A_50 = arith.addi %add3A_48, %add3A_49 : i32
      %lt3A = arith.constant 200 : i32
      %lt3A_51 = arith.cmpi slt, %add3A_50, %lt3A : i32
      %convert_element_type3A = arith.extui %lt3A_51 : i1 to i32
      %cond3A = arith.constant 0 : i32
      %cond3A_52 = arith.cmpi ne, %convert_element_type3A, %cond3A : i32
      scf.if %cond3A_52 {
        %ge3A = arith.constant 4 : i32
        %ge3A_176 = arith.cmpi sge, %add3A_50, %ge3A : i32
        %convert_element_type3A_177 = arith.extui %ge3A_176 : i1 to i32
        %cond3A_178 = arith.constant 0 : i32
        %cond3A_179 = arith.cmpi ne, %convert_element_type3A_177, %cond3A_178 : i32
        scf.if %cond3A_179 {
          %dma_wait3A_186 = arith.constant 0 : i32
          %dma_wait3A_187 = arith.constant 0 : i32
          %dma_wait3A_188 = tpu.memref_slice %arg5[%dma_wait3A_186, %dma_wait3A_187] : memref<819200x128xf32, #tpu.memory_space<hbm>> -> memref<128x128xf32, #tpu.memory_space<hbm>>
          %dma_wait3A_189 = arith.constant 0 : i32
          %dma_wait3A_190 = arith.constant 0 : i32
          %dma_wait3A_191 = tpu.memref_slice %arg5[%dma_wait3A_189, %dma_wait3A_190] : memref<819200x128xf32, #tpu.memory_space<hbm>> -> memref<128x128xf32, #tpu.memory_space<hbm>>
          tpu.wait_dma2 semaphore(%arg18 : memref<!tpu.dma_semaphore, #tpu.memory_space<semaphore_mem>>) src(%arg8 : memref<128x128xf32, #tpu.memory_space<vmem>>) dst(%dma_wait3A_191 : memref<128x128xf32, #tpu.memory_space<hbm>>)
        } else {
        }
        %dma_start3A_180 = arith.constant 0 : i32
        %dma_start3A_181 = tpu.memref_slice %arg14[%add3A_50, %dma_start3A_180] : memref<200x128xi32, #tpu.memory_space<vmem>> -> memref<1x128xi32, #tpu.memory_space<vmem>>
        %dma_start3A_182 = tpu.memref_squeeze %dma_start3A_181 : memref<1x128xi32, #tpu.memory_space<vmem>> -> memref<128xi32, #tpu.memory_space<vmem>>
        %dma_start3A_183 = arith.constant 0 : i32
        %dma_start3A_184 = arith.constant 0 : i32
        %dma_start3A_185 = tpu.memref_slice %arg3[%dma_start3A_183, %dma_start3A_184] : memref<100000x128xf32, #tpu.memory_space<hbm>> -> memref<100000x128xf32, #tpu.memory_space<hbm>>
        tpu.enqueue_indirect_dma source(%dma_start3A_185 : memref<100000x128xf32, #tpu.memory_space<hbm>>) target(%arg8 : memref<128x128xf32, #tpu.memory_space<vmem>>) offsets(%dma_start3A_182 : memref<128xi32, #tpu.memory_space<vmem>>) semaphore(%arg12 : memref<!tpu.dma_semaphore, #tpu.memory_space<semaphore_mem>>)
      } else {
      }
      %dma_wait3A_53 = arith.constant 0 : i32
      %dma_wait3A_54 = arith.constant 0 : i32
      %dma_wait3A_55 = tpu.memref_slice %arg14[%dma_wait3A_53, %dma_wait3A_54] : memref<200x128xi32, #tpu.memory_space<vmem>> -> memref<1x128xi32, #tpu.memory_space<vmem>>
      %dma_wait3A_56 = tpu.memref_squeeze %dma_wait3A_55 : memref<1x128xi32, #tpu.memory_space<vmem>> -> memref<128xi32, #tpu.memory_space<vmem>>
      %dma_wait3A_57 = arith.constant 0 : i32
      %dma_wait3A_58 = arith.constant 0 : i32
      %dma_wait3A_59 = tpu.memref_slice %arg3[%dma_wait3A_57, %dma_wait3A_58] : memref<100000x128xf32, #tpu.memory_space<hbm>> -> memref<100000x128xf32, #tpu.memory_space<hbm>>
      tpu.wait_indirect_dma semaphore(%arg10 : memref<!tpu.dma_semaphore, #tpu.memory_space<semaphore_mem>>) src(%dma_wait3A_59 : memref<100000x128xf32, #tpu.memory_space<hbm>>) dst(%arg6 : memref<128x128xf32, #tpu.memory_space<vmem>>)
      %mul3A_60 = arith.constant 128 : i32
      %mul3A_61 = arith.muli %add3A_48, %mul3A_60 : i32
      %rem3A = arith.constant 200 : i32
      %rem3A_62 = arith.remsi %mul3A_61, %rem3A : i32
      %parallel_loop3A = arith.constant 0 : i32
      %parallel_loop3A_63 = arith.constant 128 : i32
      %parallel_loop3A_64 = arith.constant 1 : i32
      scf.for %parallel_loop3A_176 = %parallel_loop3A to %parallel_loop3A_63 step %parallel_loop3A_64  : i32 {
        %parallel_loop3A_177 = arith.addi %rem3A_62, %parallel_loop3A_176 : i32
        %parallel_loop3A_178 = arith.constant 200 : i32
        %parallel_loop3A_179 = arith.cmpi slt, %parallel_loop3A_177, %parallel_loop3A_178 : i32
        %parallel_loop3A_180 = arith.constant 200 : i32
        %parallel_loop3A_181 = arith.subi %parallel_loop3A_177, %parallel_loop3A_180 : i32
        %parallel_loop3A_182 = arith.select %parallel_loop3A_179, %parallel_loop3A_177, %parallel_loop3A_181 : i32
        %parallel_loop3A_183 = arith.index_cast %parallel_loop3A_182 : i32 to index
        %parallel_loop3A_184 = arith.constant 0 : index
        %parallel_loop3A_185 = tpu.vector_load %arg15[%parallel_loop3A_183, %parallel_loop3A_184] {strides = array<i32>} : memref<200x128xf32, #tpu.memory_space<vmem>>, vector<1x16xf32>,
        %parallel_loop3A_186 = vector.shape_cast %parallel_loop3A_185 : vector<1x16xf32> to vector<16xf32>
        %parallel_loop3A_187 = arith.index_cast %parallel_loop3A_176 : i32 to index
        %parallel_loop3A_188 = arith.constant 0 : index
        %parallel_loop3A_189 = tpu.vector_load %arg6[%parallel_loop3A_187, %parallel_loop3A_188] {strides = array<i32>} : memref<128x128xf32, #tpu.memory_space<vmem>>, vector<1x16xf32>,
        %parallel_loop3A_190 = vector.shape_cast %parallel_loop3A_189 : vector<1x16xf32> to vector<16xf32>
        %parallel_loop3A_191 = vector.shape_cast %parallel_loop3A_186 : vector<16xf32> to vector<1x16xf32>
        tpu.vector_store %arg6[%parallel_loop3A_187, %parallel_loop3A_188], %parallel_loop3A_191 {add = true, strides = array<i32>} : memref<128x128xf32, #tpu.memory_space<vmem>>, vector<1x16xf32>,
        %parallel_loop3A_192 = arith.index_cast %parallel_loop3A_182 : i32 to index
        %parallel_loop3A_193 = arith.constant 16 : index
        %parallel_loop3A_194 = tpu.vector_load %arg15[%parallel_loop3A_192, %parallel_loop3A_193] {strides = array<i32>} : memref<200x128xf32, #tpu.memory_space<vmem>>, vector<1x16xf32>,
        %parallel_loop3A_195 = vector.shape_cast %parallel_loop3A_194 : vector<1x16xf32> to vector<16xf32>
        %parallel_loop3A_196 = arith.index_cast %parallel_loop3A_176 : i32 to index
        %parallel_loop3A_197 = arith.constant 16 : index
        %parallel_loop3A_198 = tpu.vector_load %arg6[%parallel_loop3A_196, %parallel_loop3A_197] {strides = array<i32>} : memref<128x128xf32, #tpu.memory_space<vmem>>, vector<1x16xf32>,
        %parallel_loop3A_199 = vector.shape_cast %parallel_loop3A_198 : vector<1x16xf32> to vector<16xf32>
        %parallel_loop3A_200 = vector.shape_cast %parallel_loop3A_195 : vector<16xf32> to vector<1x16xf32>
        tpu.vector_store %arg6[%parallel_loop3A_196, %parallel_loop3A_197], %parallel_loop3A_200 {add = true, strides = array<i32>} : memref<128x128xf32, #tpu.memory_space<vmem>>, vector<1x16xf32>,
        %parallel_loop3A_201 = arith.index_cast %parallel_loop3A_182 : i32 to index
        %parallel_loop3A_202 = arith.constant 32 : index
        %parallel_loop3A_203 = tpu.vector_load %arg15[%parallel_loop3A_201, %parallel_loop3A_202] {strides = array<i32>} : memref<200x128xf32, #tpu.memory_space<vmem>>, vector<1x16xf32>,
        %parallel_loop3A_204 = vector.shape_cast %parallel_loop3A_203 : vector<1x16xf32> to vector<16xf32>
        %parallel_loop3A_205 = arith.index_cast %parallel_loop3A_176 : i32 to index
        %parallel_loop3A_206 = arith.constant 32 : index
        %parallel_loop3A_207 = tpu.vector_load %arg6[%parallel_loop3A_205, %parallel_loop3A_206] {strides = array<i32>} : memref<128x128xf32, #tpu.memory_space<vmem>>, vector<1x16xf32>,
        %parallel_loop3A_208 = vector.shape_cast %parallel_loop3A_207 : vector<1x16xf32> to vector<16xf32>
        %parallel_loop3A_209 = vector.shape_cast %parallel_loop3A_204 : vector<16xf32> to vector<1x16xf32>
        tpu.vector_store %arg6[%parallel_loop3A_205, %parallel_loop3A_206], %parallel_loop3A_209 {add = true, strides = array<i32>} : memref<128x128xf32, #tpu.memory_space<vmem>>, vector<1x16xf32>,
        %parallel_loop3A_210 = arith.index_cast %parallel_loop3A_182 : i32 to index
        %parallel_loop3A_211 = arith.constant 48 : index
        %parallel_loop3A_212 = tpu.vector_load %arg15[%parallel_loop3A_210, %parallel_loop3A_211] {strides = array<i32>} : memref<200x128xf32, #tpu.memory_space<vmem>>, vector<1x16xf32>,
        %parallel_loop3A_213 = vector.shape_cast %parallel_loop3A_212 : vector<1x16xf32> to vector<16xf32>
        %parallel_loop3A_214 = arith.index_cast %parallel_loop3A_176 : i32 to index
        %parallel_loop3A_215 = arith.constant 48 : index
        %parallel_loop3A_216 = tpu.vector_load %arg6[%parallel_loop3A_214, %parallel_loop3A_215] {strides = array<i32>} : memref<128x128xf32, #tpu.memory_space<vmem>>, vector<1x16xf32>,
        %parallel_loop3A_217 = vector.shape_cast %parallel_loop3A_216 : vector<1x16xf32> to vector<16xf32>
        %parallel_loop3A_218 = vector.shape_cast %parallel_loop3A_213 : vector<16xf32> to vector<1x16xf32>
        tpu.vector_store %arg6[%parallel_loop3A_214, %parallel_loop3A_215], %parallel_loop3A_218 {add = true, strides = array<i32>} : memref<128x128xf32, #tpu.memory_space<vmem>>, vector<1x16xf32>,
        %parallel_loop3A_219 = arith.index_cast %parallel_loop3A_182 : i32 to index
        %parallel_loop3A_220 = arith.constant 64 : index
        %parallel_loop3A_221 = tpu.vector_load %arg15[%parallel_loop3A_219, %parallel_loop3A_220] {strides = array<i32>} : memref<200x128xf32, #tpu.memory_space<vmem>>, vector<1x16xf32>,
        %parallel_loop3A_222 = vector.shape_cast %parallel_loop3A_221 : vector<1x16xf32> to vector<16xf32>
        %parallel_loop3A_223 = arith.index_cast %parallel_loop3A_176 : i32 to index
        %parallel_loop3A_224 = arith.constant 64 : index
        %parallel_loop3A_225 = tpu.vector_load %arg6[%parallel_loop3A_223, %parallel_loop3A_224] {strides = array<i32>} : memref<128x128xf32, #tpu.memory_space<vmem>>, vector<1x16xf32>,
        %parallel_loop3A_226 = vector.shape_cast %parallel_loop3A_225 : vector<1x16xf32> to vector<16xf32>
        %parallel_loop3A_227 = vector.shape_cast %parallel_loop3A_222 : vector<16xf32> to vector<1x16xf32>
        tpu.vector_store %arg6[%parallel_loop3A_223, %parallel_loop3A_224], %parallel_loop3A_227 {add = true, strides = array<i32>} : memref<128x128xf32, #tpu.memory_space<vmem>>, vector<1x16xf32>,
        %parallel_loop3A_228 = arith.index_cast %parallel_loop3A_182 : i32 to index
        %parallel_loop3A_229 = arith.constant 80 : index
        %parallel_loop3A_230 = tpu.vector_load %arg15[%parallel_loop3A_228, %parallel_loop3A_229] {strides = array<i32>} : memref<200x128xf32, #tpu.memory_space<vmem>>, vector<1x16xf32>,
        %parallel_loop3A_231 = vector.shape_cast %parallel_loop3A_230 : vector<1x16xf32> to vector<16xf32>
        %parallel_loop3A_232 = arith.index_cast %parallel_loop3A_176 : i32 to index
        %parallel_loop3A_233 = arith.constant 80 : index
        %parallel_loop3A_234 = tpu.vector_load %arg6[%parallel_loop3A_232, %parallel_loop3A_233] {strides = array<i32>} : memref<128x128xf32, #tpu.memory_space<vmem>>, vector<1x16xf32>,
        %parallel_loop3A_235 = vector.shape_cast %parallel_loop3A_234 : vector<1x16xf32> to vector<16xf32>
        %parallel_loop3A_236 = vector.shape_cast %parallel_loop3A_231 : vector<16xf32> to vector<1x16xf32>
        tpu.vector_store %arg6[%parallel_loop3A_232, %parallel_loop3A_233], %parallel_loop3A_236 {add = true, strides = array<i32>} : memref<128x128xf32, #tpu.memory_space<vmem>>, vector<1x16xf32>,
        %parallel_loop3A_237 = arith.index_cast %parallel_loop3A_182 : i32 to index
        %parallel_loop3A_238 = arith.constant 96 : index
        %parallel_loop3A_239 = tpu.vector_load %arg15[%parallel_loop3A_237, %parallel_loop3A_238] {strides = array<i32>} : memref<200x128xf32, #tpu.memory_space<vmem>>, vector<1x16xf32>,
        %parallel_loop3A_240 = vector.shape_cast %parallel_loop3A_239 : vector<1x16xf32> to vector<16xf32>
        %parallel_loop3A_241 = arith.index_cast %parallel_loop3A_176 : i32 to index
        %parallel_loop3A_242 = arith.constant 96 : index
        %parallel_loop3A_243 = tpu.vector_load %arg6[%parallel_loop3A_241, %parallel_loop3A_242] {strides = array<i32>} : memref<128x128xf32, #tpu.memory_space<vmem>>, vector<1x16xf32>,
        %parallel_loop3A_244 = vector.shape_cast %parallel_loop3A_243 : vector<1x16xf32> to vector<16xf32>
        %parallel_loop3A_245 = vector.shape_cast %parallel_loop3A_240 : vector<16xf32> to vector<1x16xf32>
        tpu.vector_store %arg6[%parallel_loop3A_241, %parallel_loop3A_242], %parallel_loop3A_245 {add = true, strides = array<i32>} : memref<128x128xf32, #tpu.memory_space<vmem>>, vector<1x16xf32>,
        %parallel_loop3A_246 = arith.index_cast %parallel_loop3A_182 : i32 to index
        %parallel_loop3A_247 = arith.constant 112 : index
        %parallel_loop3A_248 = tpu.vector_load %arg15[%parallel_loop3A_246, %parallel_loop3A_247] {strides = array<i32>} : memref<200x128xf32, #tpu.memory_space<vmem>>, vector<1x16xf32>,
        %parallel_loop3A_249 = vector.shape_cast %parallel_loop3A_248 : vector<1x16xf32> to vector<16xf32>
        %parallel_loop3A_250 = arith.index_cast %parallel_loop3A_176 : i32 to index
        %parallel_loop3A_251 = arith.constant 112 : index
        %parallel_loop3A_252 = tpu.vector_load %arg6[%parallel_loop3A_250, %parallel_loop3A_251] {strides = array<i32>} : memref<128x128xf32, #tpu.memory_space<vmem>>, vector<1x16xf32>,
        %parallel_loop3A_253 = vector.shape_cast %parallel_loop3A_252 : vector<1x16xf32> to vector<16xf32>
        %parallel_loop3A_254 = vector.shape_cast %parallel_loop3A_249 : vector<16xf32> to vector<1x16xf32>
        tpu.vector_store %arg6[%parallel_loop3A_250, %parallel_loop3A_251], %parallel_loop3A_254 {add = true, strides = array<i32>} : memref<128x128xf32, #tpu.memory_space<vmem>>, vector<1x16xf32>,
      } {sc.loop_unroll_factor = 8 : i64, sc.parallel_access}
      %mul3A_65 = arith.constant 25600 : i32
      %mul3A_66 = arith.muli %add3A, %mul3A_65 : i32
      %mul3A_67 = arith.constant 128 : i32
      %mul3A_68 = arith.muli %add3A_48, %mul3A_67 : i32
      %add3A_69 = arith.addi %mul3A_66, %mul3A_68 : i32
      %dma_start3A_70 = arith.constant 0 : i32
      %dma_start3A_71 = tpu.memref_slice %arg5[%add3A_69, %dma_start3A_70] : memref<819200x128xf32, #tpu.memory_space<hbm>> -> memref<128x128xf32, #tpu.memory_space<hbm>>
      %dma_start3A_72 = arith.constant 0 : i32
      %dma_start3A_73 = tpu.memref_slice %arg5[%add3A_69, %dma_start3A_72] : memref<819200x128xf32, #tpu.memory_space<hbm>> -> memref<128x128xf32, #tpu.memory_space<hbm>>
      tpu.enqueue_dma source(%arg6 : memref<128x128xf32, #tpu.memory_space<vmem>>) target(%dma_start3A_73 : memref<128x128xf32, #tpu.memory_space<hbm>>) target_semaphore(%arg16 : memref<!tpu.dma_semaphore, #tpu.memory_space<semaphore_mem>>)
      %mul3A_74 = arith.constant 4 : i32
      %mul3A_75 = arith.muli %scan3A_44, %mul3A_74 : i32
      %add3A_76 = arith.constant 1 : i32
      %add3A_77 = arith.addi %mul3A_75, %add3A_76 : i32
      %add3A_78 = arith.constant 2 : i32
      %add3A_79 = arith.addi %add3A_77, %add3A_78 : i32
      %lt3A_80 = arith.constant 200 : i32
      %lt3A_81 = arith.cmpi slt, %add3A_79, %lt3A_80 : i32
      %convert_element_type3A_82 = arith.extui %lt3A_81 : i1 to i32
      %cond3A_83 = arith.constant 0 : i32
      %cond3A_84 = arith.cmpi ne, %convert_element_type3A_82, %cond3A_83 : i32
      scf.if %cond3A_84 {
        %ge3A = arith.constant 4 : i32
        %ge3A_176 = arith.cmpi sge, %add3A_79, %ge3A : i32
        %convert_element_type3A_177 = arith.extui %ge3A_176 : i1 to i32
        %cond3A_178 = arith.constant 0 : i32
        %cond3A_179 = arith.cmpi ne, %convert_element_type3A_177, %cond3A_178 : i32
        scf.if %cond3A_179 {
          %dma_wait3A_186 = arith.constant 0 : i32
          %dma_wait3A_187 = arith.constant 0 : i32
          %dma_wait3A_188 = tpu.memref_slice %arg5[%dma_wait3A_186, %dma_wait3A_187] : memref<819200x128xf32, #tpu.memory_space<hbm>> -> memref<128x128xf32, #tpu.memory_space<hbm>>
          %dma_wait3A_189 = arith.constant 0 : i32
          %dma_wait3A_190 = arith.constant 0 : i32
          %dma_wait3A_191 = tpu.memref_slice %arg5[%dma_wait3A_189, %dma_wait3A_190] : memref<819200x128xf32, #tpu.memory_space<hbm>> -> memref<128x128xf32, #tpu.memory_space<hbm>>
          tpu.wait_dma2 semaphore(%arg19 : memref<!tpu.dma_semaphore, #tpu.memory_space<semaphore_mem>>) src(%arg9 : memref<128x128xf32, #tpu.memory_space<vmem>>) dst(%dma_wait3A_191 : memref<128x128xf32, #tpu.memory_space<hbm>>)
        } else {
        }
        %dma_start3A_180 = arith.constant 0 : i32
        %dma_start3A_181 = tpu.memref_slice %arg14[%add3A_79, %dma_start3A_180] : memref<200x128xi32, #tpu.memory_space<vmem>> -> memref<1x128xi32, #tpu.memory_space<vmem>>
        %dma_start3A_182 = tpu.memref_squeeze %dma_start3A_181 : memref<1x128xi32, #tpu.memory_space<vmem>> -> memref<128xi32, #tpu.memory_space<vmem>>
        %dma_start3A_183 = arith.constant 0 : i32
        %dma_start3A_184 = arith.constant 0 : i32
        %dma_start3A_185 = tpu.memref_slice %arg3[%dma_start3A_183, %dma_start3A_184] : memref<100000x128xf32, #tpu.memory_space<hbm>> -> memref<100000x128xf32, #tpu.memory_space<hbm>>
        tpu.enqueue_indirect_dma source(%dma_start3A_185 : memref<100000x128xf32, #tpu.memory_space<hbm>>) target(%arg9 : memref<128x128xf32, #tpu.memory_space<vmem>>) offsets(%dma_start3A_182 : memref<128xi32, #tpu.memory_space<vmem>>) semaphore(%arg13 : memref<!tpu.dma_semaphore, #tpu.memory_space<semaphore_mem>>)
      } else {
      }
      %dma_wait3A_85 = arith.constant 0 : i32
      %dma_wait3A_86 = arith.constant 0 : i32
      %dma_wait3A_87 = tpu.memref_slice %arg14[%dma_wait3A_85, %dma_wait3A_86] : memref<200x128xi32, #tpu.memory_space<vmem>> -> memref<1x128xi32, #tpu.memory_space<vmem>>
      %dma_wait3A_88 = tpu.memref_squeeze %dma_wait3A_87 : memref<1x128xi32, #tpu.memory_space<vmem>> -> memref<128xi32, #tpu.memory_space<vmem>>
      %dma_wait3A_89 = arith.constant 0 : i32
      %dma_wait3A_90 = arith.constant 0 : i32
      %dma_wait3A_91 = tpu.memref_slice %arg3[%dma_wait3A_89, %dma_wait3A_90] : memref<100000x128xf32, #tpu.memory_space<hbm>> -> memref<100000x128xf32, #tpu.memory_space<hbm>>
      tpu.wait_indirect_dma semaphore(%arg11 : memref<!tpu.dma_semaphore, #tpu.memory_space<semaphore_mem>>) src(%dma_wait3A_91 : memref<100000x128xf32, #tpu.memory_space<hbm>>) dst(%arg7 : memref<128x128xf32, #tpu.memory_space<vmem>>)
      %mul3A_92 = arith.constant 128 : i32
      %mul3A_93 = arith.muli %add3A_77, %mul3A_92 : i32
      %rem3A_94 = arith.constant 200 : i32
      %rem3A_95 = arith.remsi %mul3A_93, %rem3A_94 : i32
      %parallel_loop3A_96 = arith.constant 0 : i32
      %parallel_loop3A_97 = arith.constant 128 : i32
      %parallel_loop3A_98 = arith.constant 1 : i32
      scf.for %parallel_loop3A_176 = %parallel_loop3A_96 to %parallel_loop3A_97 step %parallel_loop3A_98  : i32 {
        %parallel_loop3A_177 = arith.addi %rem3A_95, %parallel_loop3A_176 : i32
        %parallel_loop3A_178 = arith.constant 200 : i32
        %parallel_loop3A_179 = arith.cmpi slt, %parallel_loop3A_177, %parallel_loop3A_178 : i32
        %parallel_loop3A_180 = arith.constant 200 : i32
        %parallel_loop3A_181 = arith.subi %parallel_loop3A_177, %parallel_loop3A_180 : i32
        %parallel_loop3A_182 = arith.select %parallel_loop3A_179, %parallel_loop3A_177, %parallel_loop3A_181 : i32
        %parallel_loop3A_183 = arith.index_cast %parallel_loop3A_182 : i32 to index
        %parallel_loop3A_184 = arith.constant 0 : index
        %parallel_loop3A_185 = tpu.vector_load %arg15[%parallel_loop3A_183, %parallel_loop3A_184] {strides = array<i32>} : memref<200x128xf32, #tpu.memory_space<vmem>>, vector<1x16xf32>,
        %parallel_loop3A_186 = vector.shape_cast %parallel_loop3A_185 : vector<1x16xf32> to vector<16xf32>
        %parallel_loop3A_187 = arith.index_cast %parallel_loop3A_176 : i32 to index
        %parallel_loop3A_188 = arith.constant 0 : index
        %parallel_loop3A_189 = tpu.vector_load %arg7[%parallel_loop3A_187, %parallel_loop3A_188] {strides = array<i32>} : memref<128x128xf32, #tpu.memory_space<vmem>>, vector<1x16xf32>,
        %parallel_loop3A_190 = vector.shape_cast %parallel_loop3A_189 : vector<1x16xf32> to vector<16xf32>
        %parallel_loop3A_191 = vector.shape_cast %parallel_loop3A_186 : vector<16xf32> to vector<1x16xf32>
        tpu.vector_store %arg7[%parallel_loop3A_187, %parallel_loop3A_188], %parallel_loop3A_191 {add = true, strides = array<i32>} : memref<128x128xf32, #tpu.memory_space<vmem>>, vector<1x16xf32>,
        %parallel_loop3A_192 = arith.index_cast %parallel_loop3A_182 : i32 to index
        %parallel_loop3A_193 = arith.constant 16 : index
        %parallel_loop3A_194 = tpu.vector_load %arg15[%parallel_loop3A_192, %parallel_loop3A_193] {strides = array<i32>} : memref<200x128xf32, #tpu.memory_space<vmem>>, vector<1x16xf32>,
        %parallel_loop3A_195 = vector.shape_cast %parallel_loop3A_194 : vector<1x16xf32> to vector<16xf32>
        %parallel_loop3A_196 = arith.index_cast %parallel_loop3A_176 : i32 to index
        %parallel_loop3A_197 = arith.constant 16 : index
        %parallel_loop3A_198 = tpu.vector_load %arg7[%parallel_loop3A_196, %parallel_loop3A_197] {strides = array<i32>} : memref<128x128xf32, #tpu.memory_space<vmem>>, vector<1x16xf32>,
        %parallel_loop3A_199 = vector.shape_cast %parallel_loop3A_198 : vector<1x16xf32> to vector<16xf32>
        %parallel_loop3A_200 = vector.shape_cast %parallel_loop3A_195 : vector<16xf32> to vector<1x16xf32>
        tpu.vector_store %arg7[%parallel_loop3A_196, %parallel_loop3A_197], %parallel_loop3A_200 {add = true, strides = array<i32>} : memref<128x128xf32, #tpu.memory_space<vmem>>, vector<1x16xf32>,
        %parallel_loop3A_201 = arith.index_cast %parallel_loop3A_182 : i32 to index
        %parallel_loop3A_202 = arith.constant 32 : index
        %parallel_loop3A_203 = tpu.vector_load %arg15[%parallel_loop3A_201, %parallel_loop3A_202] {strides = array<i32>} : memref<200x128xf32, #tpu.memory_space<vmem>>, vector<1x16xf32>,
        %parallel_loop3A_204 = vector.shape_cast %parallel_loop3A_203 : vector<1x16xf32> to vector<16xf32>
        %parallel_loop3A_205 = arith.index_cast %parallel_loop3A_176 : i32 to index
        %parallel_loop3A_206 = arith.constant 32 : index
        %parallel_loop3A_207 = tpu.vector_load %arg7[%parallel_loop3A_205, %parallel_loop3A_206] {strides = array<i32>} : memref<128x128xf32, #tpu.memory_space<vmem>>, vector<1x16xf32>,
        %parallel_loop3A_208 = vector.shape_cast %parallel_loop3A_207 : vector<1x16xf32> to vector<16xf32>
        %parallel_loop3A_209 = vector.shape_cast %parallel_loop3A_204 : vector<16xf32> to vector<1x16xf32>
        tpu.vector_store %arg7[%parallel_loop3A_205, %parallel_loop3A_206], %parallel_loop3A_209 {add = true, strides = array<i32>} : memref<128x128xf32, #tpu.memory_space<vmem>>, vector<1x16xf32>,
        %parallel_loop3A_210 = arith.index_cast %parallel_loop3A_182 : i32 to index
        %parallel_loop3A_211 = arith.constant 48 : index
        %parallel_loop3A_212 = tpu.vector_load %arg15[%parallel_loop3A_210, %parallel_loop3A_211] {strides = array<i32>} : memref<200x128xf32, #tpu.memory_space<vmem>>, vector<1x16xf32>,
        %parallel_loop3A_213 = vector.shape_cast %parallel_loop3A_212 : vector<1x16xf32> to vector<16xf32>
        %parallel_loop3A_214 = arith.index_cast %parallel_loop3A_176 : i32 to index
        %parallel_loop3A_215 = arith.constant 48 : index
        %parallel_loop3A_216 = tpu.vector_load %arg7[%parallel_loop3A_214, %parallel_loop3A_215] {strides = array<i32>} : memref<128x128xf32, #tpu.memory_space<vmem>>, vector<1x16xf32>,
        %parallel_loop3A_217 = vector.shape_cast %parallel_loop3A_216 : vector<1x16xf32> to vector<16xf32>
        %parallel_loop3A_218 = vector.shape_cast %parallel_loop3A_213 : vector<16xf32> to vector<1x16xf32>
        tpu.vector_store %arg7[%parallel_loop3A_214, %parallel_loop3A_215], %parallel_loop3A_218 {add = true, strides = array<i32>} : memref<128x128xf32, #tpu.memory_space<vmem>>, vector<1x16xf32>,
        %parallel_loop3A_219 = arith.index_cast %parallel_loop3A_182 : i32 to index
        %parallel_loop3A_220 = arith.constant 64 : index
        %parallel_loop3A_221 = tpu.vector_load %arg15[%parallel_loop3A_219, %parallel_loop3A_220] {strides = array<i32>} : memref<200x128xf32, #tpu.memory_space<vmem>>, vector<1x16xf32>,
        %parallel_loop3A_222 = vector.shape_cast %parallel_loop3A_221 : vector<1x16xf32> to vector<16xf32>
        %parallel_loop3A_223 = arith.index_cast %parallel_loop3A_176 : i32 to index
        %parallel_loop3A_224 = arith.constant 64 : index
        %parallel_loop3A_225 = tpu.vector_load %arg7[%parallel_loop3A_223, %parallel_loop3A_224] {strides = array<i32>} : memref<128x128xf32, #tpu.memory_space<vmem>>, vector<1x16xf32>,
        %parallel_loop3A_226 = vector.shape_cast %parallel_loop3A_225 : vector<1x16xf32> to vector<16xf32>
        %parallel_loop3A_227 = vector.shape_cast %parallel_loop3A_222 : vector<16xf32> to vector<1x16xf32>
        tpu.vector_store %arg7[%parallel_loop3A_223, %parallel_loop3A_224], %parallel_loop3A_227 {add = true, strides = array<i32>} : memref<128x128xf32, #tpu.memory_space<vmem>>, vector<1x16xf32>,
        %parallel_loop3A_228 = arith.index_cast %parallel_loop3A_182 : i32 to index
        %parallel_loop3A_229 = arith.constant 80 : index
        %parallel_loop3A_230 = tpu.vector_load %arg15[%parallel_loop3A_228, %parallel_loop3A_229] {strides = array<i32>} : memref<200x128xf32, #tpu.memory_space<vmem>>, vector<1x16xf32>,
        %parallel_loop3A_231 = vector.shape_cast %parallel_loop3A_230 : vector<1x16xf32> to vector<16xf32>
        %parallel_loop3A_232 = arith.index_cast %parallel_loop3A_176 : i32 to index
        %parallel_loop3A_233 = arith.constant 80 : index
        %parallel_loop3A_234 = tpu.vector_load %arg7[%parallel_loop3A_232, %parallel_loop3A_233] {strides = array<i32>} : memref<128x128xf32, #tpu.memory_space<vmem>>, vector<1x16xf32>,
        %parallel_loop3A_235 = vector.shape_cast %parallel_loop3A_234 : vector<1x16xf32> to vector<16xf32>
        %parallel_loop3A_236 = vector.shape_cast %parallel_loop3A_231 : vector<16xf32> to vector<1x16xf32>
        tpu.vector_store %arg7[%parallel_loop3A_232, %parallel_loop3A_233], %parallel_loop3A_236 {add = true, strides = array<i32>} : memref<128x128xf32, #tpu.memory_space<vmem>>, vector<1x16xf32>,
        %parallel_loop3A_237 = arith.index_cast %parallel_loop3A_182 : i32 to index
        %parallel_loop3A_238 = arith.constant 96 : index
        %parallel_loop3A_239 = tpu.vector_load %arg15[%parallel_loop3A_237, %parallel_loop3A_238] {strides = array<i32>} : memref<200x128xf32, #tpu.memory_space<vmem>>, vector<1x16xf32>,
        %parallel_loop3A_240 = vector.shape_cast %parallel_loop3A_239 : vector<1x16xf32> to vector<16xf32>
        %parallel_loop3A_241 = arith.index_cast %parallel_loop3A_176 : i32 to index
        %parallel_loop3A_242 = arith.constant 96 : index
        %parallel_loop3A_243 = tpu.vector_load %arg7[%parallel_loop3A_241, %parallel_loop3A_242] {strides = array<i32>} : memref<128x128xf32, #tpu.memory_space<vmem>>, vector<1x16xf32>,
        %parallel_loop3A_244 = vector.shape_cast %parallel_loop3A_243 : vector<1x16xf32> to vector<16xf32>
        %parallel_loop3A_245 = vector.shape_cast %parallel_loop3A_240 : vector<16xf32> to vector<1x16xf32>
        tpu.vector_store %arg7[%parallel_loop3A_241, %parallel_loop3A_242], %parallel_loop3A_245 {add = true, strides = array<i32>} : memref<128x128xf32, #tpu.memory_space<vmem>>, vector<1x16xf32>,
        %parallel_loop3A_246 = arith.index_cast %parallel_loop3A_182 : i32 to index
        %parallel_loop3A_247 = arith.constant 112 : index
        %parallel_loop3A_248 = tpu.vector_load %arg15[%parallel_loop3A_246, %parallel_loop3A_247] {strides = array<i32>} : memref<200x128xf32, #tpu.memory_space<vmem>>, vector<1x16xf32>,
        %parallel_loop3A_249 = vector.shape_cast %parallel_loop3A_248 : vector<1x16xf32> to vector<16xf32>
        %parallel_loop3A_250 = arith.index_cast %parallel_loop3A_176 : i32 to index
        %parallel_loop3A_251 = arith.constant 112 : index
        %parallel_loop3A_252 = tpu.vector_load %arg7[%parallel_loop3A_250, %parallel_loop3A_251] {strides = array<i32>} : memref<128x128xf32, #tpu.memory_space<vmem>>, vector<1x16xf32>,
        %parallel_loop3A_253 = vector.shape_cast %parallel_loop3A_252 : vector<1x16xf32> to vector<16xf32>
        %parallel_loop3A_254 = vector.shape_cast %parallel_loop3A_249 : vector<16xf32> to vector<1x16xf32>
        tpu.vector_store %arg7[%parallel_loop3A_250, %parallel_loop3A_251], %parallel_loop3A_254 {add = true, strides = array<i32>} : memref<128x128xf32, #tpu.memory_space<vmem>>, vector<1x16xf32>,
      } {sc.loop_unroll_factor = 8 : i64, sc.parallel_access}
      %mul3A_99 = arith.constant 25600 : i32
      %mul3A_100 = arith.muli %add3A, %mul3A_99 : i32
      %mul3A_101 = arith.constant 128 : i32
      %mul3A_102 = arith.muli %add3A_77, %mul3A_101 : i32
      %add3A_103 = arith.addi %mul3A_100, %mul3A_102 : i32
      %dma_start3A_104 = arith.constant 0 : i32
      %dma_start3A_105 = tpu.memref_slice %arg5[%add3A_103, %dma_start3A_104] : memref<819200x128xf32, #tpu.memory_space<hbm>> -> memref<128x128xf32, #tpu.memory_space<hbm>>
      %dma_start3A_106 = arith.constant 0 : i32
      %dma_start3A_107 = tpu.memref_slice %arg5[%add3A_103, %dma_start3A_106] : memref<819200x128xf32, #tpu.memory_space<hbm>> -> memref<128x128xf32, #tpu.memory_space<hbm>>
      tpu.enqueue_dma source(%arg7 : memref<128x128xf32, #tpu.memory_space<vmem>>) target(%dma_start3A_107 : memref<128x128xf32, #tpu.memory_space<hbm>>) target_semaphore(%arg17 : memref<!tpu.dma_semaphore, #tpu.memory_space<semaphore_mem>>)
      %mul3A_108 = arith.constant 4 : i32
      %mul3A_109 = arith.muli %scan3A_44, %mul3A_108 : i32
      %add3A_110 = arith.constant 2 : i32
      %add3A_111 = arith.addi %mul3A_109, %add3A_110 : i32
      %add3A_112 = arith.constant 2 : i32
      %add3A_113 = arith.addi %add3A_111, %add3A_112 : i32
      %lt3A_114 = arith.constant 200 : i32
      %lt3A_115 = arith.cmpi slt, %add3A_113, %lt3A_114 : i32
      %convert_element_type3A_116 = arith.extui %lt3A_115 : i1 to i32
      %cond3A_117 = arith.constant 0 : i32
      %cond3A_118 = arith.cmpi ne, %convert_element_type3A_116, %cond3A_117 : i32
      scf.if %cond3A_118 {
        %ge3A = arith.constant 4 : i32
        %ge3A_176 = arith.cmpi sge, %add3A_113, %ge3A : i32
        %convert_element_type3A_177 = arith.extui %ge3A_176 : i1 to i32
        %cond3A_178 = arith.constant 0 : i32
        %cond3A_179 = arith.cmpi ne, %convert_element_type3A_177, %cond3A_178 : i32
        scf.if %cond3A_179 {
          %dma_wait3A_186 = arith.constant 0 : i32
          %dma_wait3A_187 = arith.constant 0 : i32
          %dma_wait3A_188 = tpu.memref_slice %arg5[%dma_wait3A_186, %dma_wait3A_187] : memref<819200x128xf32, #tpu.memory_space<hbm>> -> memref<128x128xf32, #tpu.memory_space<hbm>>
          %dma_wait3A_189 = arith.constant 0 : i32
          %dma_wait3A_190 = arith.constant 0 : i32
          %dma_wait3A_191 = tpu.memref_slice %arg5[%dma_wait3A_189, %dma_wait3A_190] : memref<819200x128xf32, #tpu.memory_space<hbm>> -> memref<128x128xf32, #tpu.memory_space<hbm>>
          tpu.wait_dma2 semaphore(%arg16 : memref<!tpu.dma_semaphore, #tpu.memory_space<semaphore_mem>>) src(%arg6 : memref<128x128xf32, #tpu.memory_space<vmem>>) dst(%dma_wait3A_191 : memref<128x128xf32, #tpu.memory_space<hbm>>)
        } else {
        }
        %dma_start3A_180 = arith.constant 0 : i32
        %dma_start3A_181 = tpu.memref_slice %arg14[%add3A_113, %dma_start3A_180] : memref<200x128xi32, #tpu.memory_space<vmem>> -> memref<1x128xi32, #tpu.memory_space<vmem>>
        %dma_start3A_182 = tpu.memref_squeeze %dma_start3A_181 : memref<1x128xi32, #tpu.memory_space<vmem>> -> memref<128xi32, #tpu.memory_space<vmem>>
        %dma_start3A_183 = arith.constant 0 : i32
        %dma_start3A_184 = arith.constant 0 : i32
        %dma_start3A_185 = tpu.memref_slice %arg3[%dma_start3A_183, %dma_start3A_184] : memref<100000x128xf32, #tpu.memory_space<hbm>> -> memref<100000x128xf32, #tpu.memory_space<hbm>>
        tpu.enqueue_indirect_dma source(%dma_start3A_185 : memref<100000x128xf32, #tpu.memory_space<hbm>>) target(%arg6 : memref<128x128xf32, #tpu.memory_space<vmem>>) offsets(%dma_start3A_182 : memref<128xi32, #tpu.memory_space<vmem>>) semaphore(%arg10 : memref<!tpu.dma_semaphore, #tpu.memory_space<semaphore_mem>>)
      } else {
      }
      %dma_wait3A_119 = arith.constant 0 : i32
      %dma_wait3A_120 = arith.constant 0 : i32
      %dma_wait3A_121 = tpu.memref_slice %arg14[%dma_wait3A_119, %dma_wait3A_120] : memref<200x128xi32, #tpu.memory_space<vmem>> -> memref<1x128xi32, #tpu.memory_space<vmem>>
      %dma_wait3A_122 = tpu.memref_squeeze %dma_wait3A_121 : memref<1x128xi32, #tpu.memory_space<vmem>> -> memref<128xi32, #tpu.memory_space<vmem>>
      %dma_wait3A_123 = arith.constant 0 : i32
      %dma_wait3A_124 = arith.constant 0 : i32
      %dma_wait3A_125 = tpu.memref_slice %arg3[%dma_wait3A_123, %dma_wait3A_124] : memref<100000x128xf32, #tpu.memory_space<hbm>> -> memref<100000x128xf32, #tpu.memory_space<hbm>>
      tpu.wait_indirect_dma semaphore(%arg12 : memref<!tpu.dma_semaphore, #tpu.memory_space<semaphore_mem>>) src(%dma_wait3A_125 : memref<100000x128xf32, #tpu.memory_space<hbm>>) dst(%arg8 : memref<128x128xf32, #tpu.memory_space<vmem>>)
      %mul3A_126 = arith.constant 128 : i32
      %mul3A_127 = arith.muli %add3A_111, %mul3A_126 : i32
      %rem3A_128 = arith.constant 200 : i32
      %rem3A_129 = arith.remsi %mul3A_127, %rem3A_128 : i32
      %parallel_loop3A_130 = arith.constant 0 : i32
      %parallel_loop3A_131 = arith.constant 128 : i32
      %parallel_loop3A_132 = arith.constant 1 : i32
      scf.for %parallel_loop3A_176 = %parallel_loop3A_130 to %parallel_loop3A_131 step %parallel_loop3A_132  : i32 {
        %parallel_loop3A_177 = arith.addi %rem3A_129, %parallel_loop3A_176 : i32
        %parallel_loop3A_178 = arith.constant 200 : i32
        %parallel_loop3A_179 = arith.cmpi slt, %parallel_loop3A_177, %parallel_loop3A_178 : i32
        %parallel_loop3A_180 = arith.constant 200 : i32
        %parallel_loop3A_181 = arith.subi %parallel_loop3A_177, %parallel_loop3A_180 : i32
        %parallel_loop3A_182 = arith.select %parallel_loop3A_179, %parallel_loop3A_177, %parallel_loop3A_181 : i32
        %parallel_loop3A_183 = arith.index_cast %parallel_loop3A_182 : i32 to index
        %parallel_loop3A_184 = arith.constant 0 : index
        %parallel_loop3A_185 = tpu.vector_load %arg15[%parallel_loop3A_183, %parallel_loop3A_184] {strides = array<i32>} : memref<200x128xf32, #tpu.memory_space<vmem>>, vector<1x16xf32>,
        %parallel_loop3A_186 = vector.shape_cast %parallel_loop3A_185 : vector<1x16xf32> to vector<16xf32>
        %parallel_loop3A_187 = arith.index_cast %parallel_loop3A_176 : i32 to index
        %parallel_loop3A_188 = arith.constant 0 : index
        %parallel_loop3A_189 = tpu.vector_load %arg8[%parallel_loop3A_187, %parallel_loop3A_188] {strides = array<i32>} : memref<128x128xf32, #tpu.memory_space<vmem>>, vector<1x16xf32>,
        %parallel_loop3A_190 = vector.shape_cast %parallel_loop3A_189 : vector<1x16xf32> to vector<16xf32>
        %parallel_loop3A_191 = vector.shape_cast %parallel_loop3A_186 : vector<16xf32> to vector<1x16xf32>
        tpu.vector_store %arg8[%parallel_loop3A_187, %parallel_loop3A_188], %parallel_loop3A_191 {add = true, strides = array<i32>} : memref<128x128xf32, #tpu.memory_space<vmem>>, vector<1x16xf32>,
        %parallel_loop3A_192 = arith.index_cast %parallel_loop3A_182 : i32 to index
        %parallel_loop3A_193 = arith.constant 16 : index
        %parallel_loop3A_194 = tpu.vector_load %arg15[%parallel_loop3A_192, %parallel_loop3A_193] {strides = array<i32>} : memref<200x128xf32, #tpu.memory_space<vmem>>, vector<1x16xf32>,
        %parallel_loop3A_195 = vector.shape_cast %parallel_loop3A_194 : vector<1x16xf32> to vector<16xf32>
        %parallel_loop3A_196 = arith.index_cast %parallel_loop3A_176 : i32 to index
        %parallel_loop3A_197 = arith.constant 16 : index
        %parallel_loop3A_198 = tpu.vector_load %arg8[%parallel_loop3A_196, %parallel_loop3A_197] {strides = array<i32>} : memref<128x128xf32, #tpu.memory_space<vmem>>, vector<1x16xf32>,
        %parallel_loop3A_199 = vector.shape_cast %parallel_loop3A_198 : vector<1x16xf32> to vector<16xf32>
        %parallel_loop3A_200 = vector.shape_cast %parallel_loop3A_195 : vector<16xf32> to vector<1x16xf32>
        tpu.vector_store %arg8[%parallel_loop3A_196, %parallel_loop3A_197], %parallel_loop3A_200 {add = true, strides = array<i32>} : memref<128x128xf32, #tpu.memory_space<vmem>>, vector<1x16xf32>,
        %parallel_loop3A_201 = arith.index_cast %parallel_loop3A_182 : i32 to index
        %parallel_loop3A_202 = arith.constant 32 : index
        %parallel_loop3A_203 = tpu.vector_load %arg15[%parallel_loop3A_201, %parallel_loop3A_202] {strides = array<i32>} : memref<200x128xf32, #tpu.memory_space<vmem>>, vector<1x16xf32>,
        %parallel_loop3A_204 = vector.shape_cast %parallel_loop3A_203 : vector<1x16xf32> to vector<16xf32>
        %parallel_loop3A_205 = arith.index_cast %parallel_loop3A_176 : i32 to index
        %parallel_loop3A_206 = arith.constant 32 : index
        %parallel_loop3A_207 = tpu.vector_load %arg8[%parallel_loop3A_205, %parallel_loop3A_206] {strides = array<i32>} : memref<128x128xf32, #tpu.memory_space<vmem>>, vector<1x16xf32>,
        %parallel_loop3A_208 = vector.shape_cast %parallel_loop3A_207 : vector<1x16xf32> to vector<16xf32>
        %parallel_loop3A_209 = vector.shape_cast %parallel_loop3A_204 : vector<16xf32> to vector<1x16xf32>
        tpu.vector_store %arg8[%parallel_loop3A_205, %parallel_loop3A_206], %parallel_loop3A_209 {add = true, strides = array<i32>} : memref<128x128xf32, #tpu.memory_space<vmem>>, vector<1x16xf32>,
        %parallel_loop3A_210 = arith.index_cast %parallel_loop3A_182 : i32 to index
        %parallel_loop3A_211 = arith.constant 48 : index
        %parallel_loop3A_212 = tpu.vector_load %arg15[%parallel_loop3A_210, %parallel_loop3A_211] {strides = array<i32>} : memref<200x128xf32, #tpu.memory_space<vmem>>, vector<1x16xf32>,
        %parallel_loop3A_213 = vector.shape_cast %parallel_loop3A_212 : vector<1x16xf32> to vector<16xf32>
        %parallel_loop3A_214 = arith.index_cast %parallel_loop3A_176 : i32 to index
        %parallel_loop3A_215 = arith.constant 48 : index
        %parallel_loop3A_216 = tpu.vector_load %arg8[%parallel_loop3A_214, %parallel_loop3A_215] {strides = array<i32>} : memref<128x128xf32, #tpu.memory_space<vmem>>, vector<1x16xf32>,
        %parallel_loop3A_217 = vector.shape_cast %parallel_loop3A_216 : vector<1x16xf32> to vector<16xf32>
        %parallel_loop3A_218 = vector.shape_cast %parallel_loop3A_213 : vector<16xf32> to vector<1x16xf32>
        tpu.vector_store %arg8[%parallel_loop3A_214, %parallel_loop3A_215], %parallel_loop3A_218 {add = true, strides = array<i32>} : memref<128x128xf32, #tpu.memory_space<vmem>>, vector<1x16xf32>,
        %parallel_loop3A_219 = arith.index_cast %parallel_loop3A_182 : i32 to index
        %parallel_loop3A_220 = arith.constant 64 : index
        %parallel_loop3A_221 = tpu.vector_load %arg15[%parallel_loop3A_219, %parallel_loop3A_220] {strides = array<i32>} : memref<200x128xf32, #tpu.memory_space<vmem>>, vector<1x16xf32>,
        %parallel_loop3A_222 = vector.shape_cast %parallel_loop3A_221 : vector<1x16xf32> to vector<16xf32>
        %parallel_loop3A_223 = arith.index_cast %parallel_loop3A_176 : i32 to index
        %parallel_loop3A_224 = arith.constant 64 : index
        %parallel_loop3A_225 = tpu.vector_load %arg8[%parallel_loop3A_223, %parallel_loop3A_224] {strides = array<i32>} : memref<128x128xf32, #tpu.memory_space<vmem>>, vector<1x16xf32>,
        %parallel_loop3A_226 = vector.shape_cast %parallel_loop3A_225 : vector<1x16xf32> to vector<16xf32>
        %parallel_loop3A_227 = vector.shape_cast %parallel_loop3A_222 : vector<16xf32> to vector<1x16xf32>
        tpu.vector_store %arg8[%parallel_loop3A_223, %parallel_loop3A_224], %parallel_loop3A_227 {add = true, strides = array<i32>} : memref<128x128xf32, #tpu.memory_space<vmem>>, vector<1x16xf32>,
        %parallel_loop3A_228 = arith.index_cast %parallel_loop3A_182 : i32 to index
        %parallel_loop3A_229 = arith.constant 80 : index
        %parallel_loop3A_230 = tpu.vector_load %arg15[%parallel_loop3A_228, %parallel_loop3A_229] {strides = array<i32>} : memref<200x128xf32, #tpu.memory_space<vmem>>, vector<1x16xf32>,
        %parallel_loop3A_231 = vector.shape_cast %parallel_loop3A_230 : vector<1x16xf32> to vector<16xf32>
        %parallel_loop3A_232 = arith.index_cast %parallel_loop3A_176 : i32 to index
        %parallel_loop3A_233 = arith.constant 80 : index
        %parallel_loop3A_234 = tpu.vector_load %arg8[%parallel_loop3A_232, %parallel_loop3A_233] {strides = array<i32>} : memref<128x128xf32, #tpu.memory_space<vmem>>, vector<1x16xf32>,
        %parallel_loop3A_235 = vector.shape_cast %parallel_loop3A_234 : vector<1x16xf32> to vector<16xf32>
        %parallel_loop3A_236 = vector.shape_cast %parallel_loop3A_231 : vector<16xf32> to vector<1x16xf32>
        tpu.vector_store %arg8[%parallel_loop3A_232, %parallel_loop3A_233], %parallel_loop3A_236 {add = true, strides = array<i32>} : memref<128x128xf32, #tpu.memory_space<vmem>>, vector<1x16xf32>,
        %parallel_loop3A_237 = arith.index_cast %parallel_loop3A_182 : i32 to index
        %parallel_loop3A_238 = arith.constant 96 : index
        %parallel_loop3A_239 = tpu.vector_load %arg15[%parallel_loop3A_237, %parallel_loop3A_238] {strides = array<i32>} : memref<200x128xf32, #tpu.memory_space<vmem>>, vector<1x16xf32>,
        %parallel_loop3A_240 = vector.shape_cast %parallel_loop3A_239 : vector<1x16xf32> to vector<16xf32>
        %parallel_loop3A_241 = arith.index_cast %parallel_loop3A_176 : i32 to index
        %parallel_loop3A_242 = arith.constant 96 : index
        %parallel_loop3A_243 = tpu.vector_load %arg8[%parallel_loop3A_241, %parallel_loop3A_242] {strides = array<i32>} : memref<128x128xf32, #tpu.memory_space<vmem>>, vector<1x16xf32>,
        %parallel_loop3A_244 = vector.shape_cast %parallel_loop3A_243 : vector<1x16xf32> to vector<16xf32>
        %parallel_loop3A_245 = vector.shape_cast %parallel_loop3A_240 : vector<16xf32> to vector<1x16xf32>
        tpu.vector_store %arg8[%parallel_loop3A_241, %parallel_loop3A_242], %parallel_loop3A_245 {add = true, strides = array<i32>} : memref<128x128xf32, #tpu.memory_space<vmem>>, vector<1x16xf32>,
        %parallel_loop3A_246 = arith.index_cast %parallel_loop3A_182 : i32 to index
        %parallel_loop3A_247 = arith.constant 112 : index
        %parallel_loop3A_248 = tpu.vector_load %arg15[%parallel_loop3A_246, %parallel_loop3A_247] {strides = array<i32>} : memref<200x128xf32, #tpu.memory_space<vmem>>, vector<1x16xf32>,
        %parallel_loop3A_249 = vector.shape_cast %parallel_loop3A_248 : vector<1x16xf32> to vector<16xf32>
        %parallel_loop3A_250 = arith.index_cast %parallel_loop3A_176 : i32 to index
        %parallel_loop3A_251 = arith.constant 112 : index
        %parallel_loop3A_252 = tpu.vector_load %arg8[%parallel_loop3A_250, %parallel_loop3A_251] {strides = array<i32>} : memref<128x128xf32, #tpu.memory_space<vmem>>, vector<1x16xf32>,
        %parallel_loop3A_253 = vector.shape_cast %parallel_loop3A_252 : vector<1x16xf32> to vector<16xf32>
        %parallel_loop3A_254 = vector.shape_cast %parallel_loop3A_249 : vector<16xf32> to vector<1x16xf32>
        tpu.vector_store %arg8[%parallel_loop3A_250, %parallel_loop3A_251], %parallel_loop3A_254 {add = true, strides = array<i32>} : memref<128x128xf32, #tpu.memory_space<vmem>>, vector<1x16xf32>,
      } {sc.loop_unroll_factor = 8 : i64, sc.parallel_access}
      %mul3A_133 = arith.constant 25600 : i32
      %mul3A_134 = arith.muli %add3A, %mul3A_133 : i32
      %mul3A_135 = arith.constant 128 : i32
      %mul3A_136 = arith.muli %add3A_111, %mul3A_135 : i32
      %add3A_137 = arith.addi %mul3A_134, %mul3A_136 : i32
      %dma_start3A_138 = arith.constant 0 : i32
      %dma_start3A_139 = tpu.memref_slice %arg5[%add3A_137, %dma_start3A_138] : memref<819200x128xf32, #tpu.memory_space<hbm>> -> memref<128x128xf32, #tpu.memory_space<hbm>>
      %dma_start3A_140 = arith.constant 0 : i32
      %dma_start3A_141 = tpu.memref_slice %arg5[%add3A_137, %dma_start3A_140] : memref<819200x128xf32, #tpu.memory_space<hbm>> -> memref<128x128xf32, #tpu.memory_space<hbm>>
      tpu.enqueue_dma source(%arg8 : memref<128x128xf32, #tpu.memory_space<vmem>>) target(%dma_start3A_141 : memref<128x128xf32, #tpu.memory_space<hbm>>) target_semaphore(%arg18 : memref<!tpu.dma_semaphore, #tpu.memory_space<semaphore_mem>>)
      %mul3A_142 = arith.constant 4 : i32
      %mul3A_143 = arith.muli %scan3A_44, %mul3A_142 : i32
      %add3A_144 = arith.constant 3 : i32
      %add3A_145 = arith.addi %mul3A_143, %add3A_144 : i32
      %add3A_146 = arith.constant 2 : i32
      %add3A_147 = arith.addi %add3A_145, %add3A_146 : i32
      %lt3A_148 = arith.constant 200 : i32
      %lt3A_149 = arith.cmpi slt, %add3A_147, %lt3A_148 : i32
      %convert_element_type3A_150 = arith.extui %lt3A_149 : i1 to i32
      %cond3A_151 = arith.constant 0 : i32
      %cond3A_152 = arith.cmpi ne, %convert_element_type3A_150, %cond3A_151 : i32
      scf.if %cond3A_152 {
        %ge3A = arith.constant 4 : i32
        %ge3A_176 = arith.cmpi sge, %add3A_147, %ge3A : i32
        %convert_element_type3A_177 = arith.extui %ge3A_176 : i1 to i32
        %cond3A_178 = arith.constant 0 : i32
        %cond3A_179 = arith.cmpi ne, %convert_element_type3A_177, %cond3A_178 : i32
        scf.if %cond3A_179 {
          %dma_wait3A_186 = arith.constant 0 : i32
          %dma_wait3A_187 = arith.constant 0 : i32
          %dma_wait3A_188 = tpu.memref_slice %arg5[%dma_wait3A_186, %dma_wait3A_187] : memref<819200x128xf32, #tpu.memory_space<hbm>> -> memref<128x128xf32, #tpu.memory_space<hbm>>
          %dma_wait3A_189 = arith.constant 0 : i32
          %dma_wait3A_190 = arith.constant 0 : i32
          %dma_wait3A_191 = tpu.memref_slice %arg5[%dma_wait3A_189, %dma_wait3A_190] : memref<819200x128xf32, #tpu.memory_space<hbm>> -> memref<128x128xf32, #tpu.memory_space<hbm>>
          tpu.wait_dma2 semaphore(%arg17 : memref<!tpu.dma_semaphore, #tpu.memory_space<semaphore_mem>>) src(%arg7 : memref<128x128xf32, #tpu.memory_space<vmem>>) dst(%dma_wait3A_191 : memref<128x128xf32, #tpu.memory_space<hbm>>)
        } else {
        }
        %dma_start3A_180 = arith.constant 0 : i32
        %dma_start3A_181 = tpu.memref_slice %arg14[%add3A_147, %dma_start3A_180] : memref<200x128xi32, #tpu.memory_space<vmem>> -> memref<1x128xi32, #tpu.memory_space<vmem>>
        %dma_start3A_182 = tpu.memref_squeeze %dma_start3A_181 : memref<1x128xi32, #tpu.memory_space<vmem>> -> memref<128xi32, #tpu.memory_space<vmem>>
        %dma_start3A_183 = arith.constant 0 : i32
        %dma_start3A_184 = arith.constant 0 : i32
        %dma_start3A_185 = tpu.memref_slice %arg3[%dma_start3A_183, %dma_start3A_184] : memref<100000x128xf32, #tpu.memory_space<hbm>> -> memref<100000x128xf32, #tpu.memory_space<hbm>>
        tpu.enqueue_indirect_dma source(%dma_start3A_185 : memref<100000x128xf32, #tpu.memory_space<hbm>>) target(%arg7 : memref<128x128xf32, #tpu.memory_space<vmem>>) offsets(%dma_start3A_182 : memref<128xi32, #tpu.memory_space<vmem>>) semaphore(%arg11 : memref<!tpu.dma_semaphore, #tpu.memory_space<semaphore_mem>>)
      } else {
      }
      %dma_wait3A_153 = arith.constant 0 : i32
      %dma_wait3A_154 = arith.constant 0 : i32
      %dma_wait3A_155 = tpu.memref_slice %arg14[%dma_wait3A_153, %dma_wait3A_154] : memref<200x128xi32, #tpu.memory_space<vmem>> -> memref<1x128xi32, #tpu.memory_space<vmem>>
      %dma_wait3A_156 = tpu.memref_squeeze %dma_wait3A_155 : memref<1x128xi32, #tpu.memory_space<vmem>> -> memref<128xi32, #tpu.memory_space<vmem>>
      %dma_wait3A_157 = arith.constant 0 : i32
      %dma_wait3A_158 = arith.constant 0 : i32
      %dma_wait3A_159 = tpu.memref_slice %arg3[%dma_wait3A_157, %dma_wait3A_158] : memref<100000x128xf32, #tpu.memory_space<hbm>> -> memref<100000x128xf32, #tpu.memory_space<hbm>>
      tpu.wait_indirect_dma semaphore(%arg13 : memref<!tpu.dma_semaphore, #tpu.memory_space<semaphore_mem>>) src(%dma_wait3A_159 : memref<100000x128xf32, #tpu.memory_space<hbm>>) dst(%arg9 : memref<128x128xf32, #tpu.memory_space<vmem>>)
      %mul3A_160 = arith.constant 128 : i32
      %mul3A_161 = arith.muli %add3A_145, %mul3A_160 : i32
      %rem3A_162 = arith.constant 200 : i32
      %rem3A_163 = arith.remsi %mul3A_161, %rem3A_162 : i32
      %parallel_loop3A_164 = arith.constant 0 : i32
      %parallel_loop3A_165 = arith.constant 128 : i32
      %parallel_loop3A_166 = arith.constant 1 : i32
      scf.for %parallel_loop3A_176 = %parallel_loop3A_164 to %parallel_loop3A_165 step %parallel_loop3A_166  : i32 {
        %parallel_loop3A_177 = arith.addi %rem3A_163, %parallel_loop3A_176 : i32
        %parallel_loop3A_178 = arith.constant 200 : i32
        %parallel_loop3A_179 = arith.cmpi slt, %parallel_loop3A_177, %parallel_loop3A_178 : i32
        %parallel_loop3A_180 = arith.constant 200 : i32
        %parallel_loop3A_181 = arith.subi %parallel_loop3A_177, %parallel_loop3A_180 : i32
        %parallel_loop3A_182 = arith.select %parallel_loop3A_179, %parallel_loop3A_177, %parallel_loop3A_181 : i32
        %parallel_loop3A_183 = arith.index_cast %parallel_loop3A_182 : i32 to index
        %parallel_loop3A_184 = arith.constant 0 : index
        %parallel_loop3A_185 = tpu.vector_load %arg15[%parallel_loop3A_183, %parallel_loop3A_184] {strides = array<i32>} : memref<200x128xf32, #tpu.memory_space<vmem>>, vector<1x16xf32>,
        %parallel_loop3A_186 = vector.shape_cast %parallel_loop3A_185 : vector<1x16xf32> to vector<16xf32>
        %parallel_loop3A_187 = arith.index_cast %parallel_loop3A_176 : i32 to index
        %parallel_loop3A_188 = arith.constant 0 : index
        %parallel_loop3A_189 = tpu.vector_load %arg9[%parallel_loop3A_187, %parallel_loop3A_188] {strides = array<i32>} : memref<128x128xf32, #tpu.memory_space<vmem>>, vector<1x16xf32>,
        %parallel_loop3A_190 = vector.shape_cast %parallel_loop3A_189 : vector<1x16xf32> to vector<16xf32>
        %parallel_loop3A_191 = vector.shape_cast %parallel_loop3A_186 : vector<16xf32> to vector<1x16xf32>
        tpu.vector_store %arg9[%parallel_loop3A_187, %parallel_loop3A_188], %parallel_loop3A_191 {add = true, strides = array<i32>} : memref<128x128xf32, #tpu.memory_space<vmem>>, vector<1x16xf32>,
        %parallel_loop3A_192 = arith.index_cast %parallel_loop3A_182 : i32 to index
        %parallel_loop3A_193 = arith.constant 16 : index
        %parallel_loop3A_194 = tpu.vector_load %arg15[%parallel_loop3A_192, %parallel_loop3A_193] {strides = array<i32>} : memref<200x128xf32, #tpu.memory_space<vmem>>, vector<1x16xf32>,
        %parallel_loop3A_195 = vector.shape_cast %parallel_loop3A_194 : vector<1x16xf32> to vector<16xf32>
        %parallel_loop3A_196 = arith.index_cast %parallel_loop3A_176 : i32 to index
        %parallel_loop3A_197 = arith.constant 16 : index
        %parallel_loop3A_198 = tpu.vector_load %arg9[%parallel_loop3A_196, %parallel_loop3A_197] {strides = array<i32>} : memref<128x128xf32, #tpu.memory_space<vmem>>, vector<1x16xf32>,
        %parallel_loop3A_199 = vector.shape_cast %parallel_loop3A_198 : vector<1x16xf32> to vector<16xf32>
        %parallel_loop3A_200 = vector.shape_cast %parallel_loop3A_195 : vector<16xf32> to vector<1x16xf32>
        tpu.vector_store %arg9[%parallel_loop3A_196, %parallel_loop3A_197], %parallel_loop3A_200 {add = true, strides = array<i32>} : memref<128x128xf32, #tpu.memory_space<vmem>>, vector<1x16xf32>,
        %parallel_loop3A_201 = arith.index_cast %parallel_loop3A_182 : i32 to index
        %parallel_loop3A_202 = arith.constant 32 : index
        %parallel_loop3A_203 = tpu.vector_load %arg15[%parallel_loop3A_201, %parallel_loop3A_202] {strides = array<i32>} : memref<200x128xf32, #tpu.memory_space<vmem>>, vector<1x16xf32>,
        %parallel_loop3A_204 = vector.shape_cast %parallel_loop3A_203 : vector<1x16xf32> to vector<16xf32>
        %parallel_loop3A_205 = arith.index_cast %parallel_loop3A_176 : i32 to index
        %parallel_loop3A_206 = arith.constant 32 : index
        %parallel_loop3A_207 = tpu.vector_load %arg9[%parallel_loop3A_205, %parallel_loop3A_206] {strides = array<i32>} : memref<128x128xf32, #tpu.memory_space<vmem>>, vector<1x16xf32>,
        %parallel_loop3A_208 = vector.shape_cast %parallel_loop3A_207 : vector<1x16xf32> to vector<16xf32>
        %parallel_loop3A_209 = vector.shape_cast %parallel_loop3A_204 : vector<16xf32> to vector<1x16xf32>
        tpu.vector_store %arg9[%parallel_loop3A_205, %parallel_loop3A_206], %parallel_loop3A_209 {add = true, strides = array<i32>} : memref<128x128xf32, #tpu.memory_space<vmem>>, vector<1x16xf32>,
        %parallel_loop3A_210 = arith.index_cast %parallel_loop3A_182 : i32 to index
        %parallel_loop3A_211 = arith.constant 48 : index
        %parallel_loop3A_212 = tpu.vector_load %arg15[%parallel_loop3A_210, %parallel_loop3A_211] {strides = array<i32>} : memref<200x128xf32, #tpu.memory_space<vmem>>, vector<1x16xf32>,
        %parallel_loop3A_213 = vector.shape_cast %parallel_loop3A_212 : vector<1x16xf32> to vector<16xf32>
        %parallel_loop3A_214 = arith.index_cast %parallel_loop3A_176 : i32 to index
        %parallel_loop3A_215 = arith.constant 48 : index
        %parallel_loop3A_216 = tpu.vector_load %arg9[%parallel_loop3A_214, %parallel_loop3A_215] {strides = array<i32>} : memref<128x128xf32, #tpu.memory_space<vmem>>, vector<1x16xf32>,
        %parallel_loop3A_217 = vector.shape_cast %parallel_loop3A_216 : vector<1x16xf32> to vector<16xf32>
        %parallel_loop3A_218 = vector.shape_cast %parallel_loop3A_213 : vector<16xf32> to vector<1x16xf32>
        tpu.vector_store %arg9[%parallel_loop3A_214, %parallel_loop3A_215], %parallel_loop3A_218 {add = true, strides = array<i32>} : memref<128x128xf32, #tpu.memory_space<vmem>>, vector<1x16xf32>,
        %parallel_loop3A_219 = arith.index_cast %parallel_loop3A_182 : i32 to index
        %parallel_loop3A_220 = arith.constant 64 : index
        %parallel_loop3A_221 = tpu.vector_load %arg15[%parallel_loop3A_219, %parallel_loop3A_220] {strides = array<i32>} : memref<200x128xf32, #tpu.memory_space<vmem>>, vector<1x16xf32>,
        %parallel_loop3A_222 = vector.shape_cast %parallel_loop3A_221 : vector<1x16xf32> to vector<16xf32>
        %parallel_loop3A_223 = arith.index_cast %parallel_loop3A_176 : i32 to index
        %parallel_loop3A_224 = arith.constant 64 : index
        %parallel_loop3A_225 = tpu.vector_load %arg9[%parallel_loop3A_223, %parallel_loop3A_224] {strides = array<i32>} : memref<128x128xf32, #tpu.memory_space<vmem>>, vector<1x16xf32>,
        %parallel_loop3A_226 = vector.shape_cast %parallel_loop3A_225 : vector<1x16xf32> to vector<16xf32>
        %parallel_loop3A_227 = vector.shape_cast %parallel_loop3A_222 : vector<16xf32> to vector<1x16xf32>
        tpu.vector_store %arg9[%parallel_loop3A_223, %parallel_loop3A_224], %parallel_loop3A_227 {add = true, strides = array<i32>} : memref<128x128xf32, #tpu.memory_space<vmem>>, vector<1x16xf32>,
        %parallel_loop3A_228 = arith.index_cast %parallel_loop3A_182 : i32 to index
        %parallel_loop3A_229 = arith.constant 80 : index
        %parallel_loop3A_230 = tpu.vector_load %arg15[%parallel_loop3A_228, %parallel_loop3A_229] {strides = array<i32>} : memref<200x128xf32, #tpu.memory_space<vmem>>, vector<1x16xf32>,
        %parallel_loop3A_231 = vector.shape_cast %parallel_loop3A_230 : vector<1x16xf32> to vector<16xf32>
        %parallel_loop3A_232 = arith.index_cast %parallel_loop3A_176 : i32 to index
        %parallel_loop3A_233 = arith.constant 80 : index
        %parallel_loop3A_234 = tpu.vector_load %arg9[%parallel_loop3A_232, %parallel_loop3A_233] {strides = array<i32>} : memref<128x128xf32, #tpu.memory_space<vmem>>, vector<1x16xf32>,
        %parallel_loop3A_235 = vector.shape_cast %parallel_loop3A_234 : vector<1x16xf32> to vector<16xf32>
        %parallel_loop3A_236 = vector.shape_cast %parallel_loop3A_231 : vector<16xf32> to vector<1x16xf32>
        tpu.vector_store %arg9[%parallel_loop3A_232, %parallel_loop3A_233], %parallel_loop3A_236 {add = true, strides = array<i32>} : memref<128x128xf32, #tpu.memory_space<vmem>>, vector<1x16xf32>,
        %parallel_loop3A_237 = arith.index_cast %parallel_loop3A_182 : i32 to index
        %parallel_loop3A_238 = arith.constant 96 : index
        %parallel_loop3A_239 = tpu.vector_load %arg15[%parallel_loop3A_237, %parallel_loop3A_238] {strides = array<i32>} : memref<200x128xf32, #tpu.memory_space<vmem>>, vector<1x16xf32>,
        %parallel_loop3A_240 = vector.shape_cast %parallel_loop3A_239 : vector<1x16xf32> to vector<16xf32>
        %parallel_loop3A_241 = arith.index_cast %parallel_loop3A_176 : i32 to index
        %parallel_loop3A_242 = arith.constant 96 : index
        %parallel_loop3A_243 = tpu.vector_load %arg9[%parallel_loop3A_241, %parallel_loop3A_242] {strides = array<i32>} : memref<128x128xf32, #tpu.memory_space<vmem>>, vector<1x16xf32>,
        %parallel_loop3A_244 = vector.shape_cast %parallel_loop3A_243 : vector<1x16xf32> to vector<16xf32>
        %parallel_loop3A_245 = vector.shape_cast %parallel_loop3A_240 : vector<16xf32> to vector<1x16xf32>
        tpu.vector_store %arg9[%parallel_loop3A_241, %parallel_loop3A_242], %parallel_loop3A_245 {add = true, strides = array<i32>} : memref<128x128xf32, #tpu.memory_space<vmem>>, vector<1x16xf32>,
        %parallel_loop3A_246 = arith.index_cast %parallel_loop3A_182 : i32 to index
        %parallel_loop3A_247 = arith.constant 112 : index
        %parallel_loop3A_248 = tpu.vector_load %arg15[%parallel_loop3A_246, %parallel_loop3A_247] {strides = array<i32>} : memref<200x128xf32, #tpu.memory_space<vmem>>, vector<1x16xf32>,
        %parallel_loop3A_249 = vector.shape_cast %parallel_loop3A_248 : vector<1x16xf32> to vector<16xf32>
        %parallel_loop3A_250 = arith.index_cast %parallel_loop3A_176 : i32 to index
        %parallel_loop3A_251 = arith.constant 112 : index
        %parallel_loop3A_252 = tpu.vector_load %arg9[%parallel_loop3A_250, %parallel_loop3A_251] {strides = array<i32>} : memref<128x128xf32, #tpu.memory_space<vmem>>, vector<1x16xf32>,
        %parallel_loop3A_253 = vector.shape_cast %parallel_loop3A_252 : vector<1x16xf32> to vector<16xf32>
        %parallel_loop3A_254 = vector.shape_cast %parallel_loop3A_249 : vector<16xf32> to vector<1x16xf32>
        tpu.vector_store %arg9[%parallel_loop3A_250, %parallel_loop3A_251], %parallel_loop3A_254 {add = true, strides = array<i32>} : memref<128x128xf32, #tpu.memory_space<vmem>>, vector<1x16xf32>,
      } {sc.loop_unroll_factor = 8 : i64, sc.parallel_access}
      %mul3A_167 = arith.constant 25600 : i32
      %mul3A_168 = arith.muli %add3A, %mul3A_167 : i32
      %mul3A_169 = arith.constant 128 : i32
      %mul3A_170 = arith.muli %add3A_145, %mul3A_169 : i32
      %add3A_171 = arith.addi %mul3A_168, %mul3A_170 : i32
      %dma_start3A_172 = arith.constant 0 : i32
      %dma_start3A_173 = tpu.memref_slice %arg5[%add3A_171, %dma_start3A_172] : memref<819200x128xf32, #tpu.memory_space<hbm>> -> memref<128x128xf32, #tpu.memory_space<hbm>>
      %dma_start3A_174 = arith.constant 0 : i32
      %dma_start3A_175 = tpu.memref_slice %arg5[%add3A_171, %dma_start3A_174] : memref<819200x128xf32, #tpu.memory_space<hbm>> -> memref<128x128xf32, #tpu.memory_space<hbm>>
      tpu.enqueue_dma source(%arg9 : memref<128x128xf32, #tpu.memory_space<vmem>>) target(%dma_start3A_175 : memref<128x128xf32, #tpu.memory_space<hbm>>) target_semaphore(%arg19 : memref<!tpu.dma_semaphore, #tpu.memory_space<semaphore_mem>>)
    }
    %scan3A_20 = arith.constant 50 : i32
    %dma_wait3A = arith.constant 0 : i32
    %dma_wait3A_21 = arith.constant 0 : i32
    %dma_wait3A_22 = tpu.memref_slice %arg5[%dma_wait3A, %dma_wait3A_21] : memref<819200x128xf32, #tpu.memory_space<hbm>> -> memref<128x128xf32, #tpu.memory_space<hbm>>
    %dma_wait3A_23 = arith.constant 0 : i32
    %dma_wait3A_24 = arith.constant 0 : i32
    %dma_wait3A_25 = tpu.memref_slice %arg5[%dma_wait3A_23, %dma_wait3A_24] : memref<819200x128xf32, #tpu.memory_space<hbm>> -> memref<128x128xf32, #tpu.memory_space<hbm>>
    tpu.wait_dma2 semaphore(%arg16 : memref<!tpu.dma_semaphore, #tpu.memory_space<semaphore_mem>>) src(%arg6 : memref<128x128xf32, #tpu.memory_space<vmem>>) dst(%dma_wait3A_25 : memref<128x128xf32, #tpu.memory_space<hbm>>)
    %dma_wait3A_26 = arith.constant 0 : i32
    %dma_wait3A_27 = arith.constant 0 : i32
    %dma_wait3A_28 = tpu.memref_slice %arg5[%dma_wait3A_26, %dma_wait3A_27] : memref<819200x128xf32, #tpu.memory_space<hbm>> -> memref<128x128xf32, #tpu.memory_space<hbm>>
    %dma_wait3A_29 = arith.constant 0 : i32
    %dma_wait3A_30 = arith.constant 0 : i32
    %dma_wait3A_31 = tpu.memref_slice %arg5[%dma_wait3A_29, %dma_wait3A_30] : memref<819200x128xf32, #tpu.memory_space<hbm>> -> memref<128x128xf32, #tpu.memory_space<hbm>>
    tpu.wait_dma2 semaphore(%arg17 : memref<!tpu.dma_semaphore, #tpu.memory_space<semaphore_mem>>) src(%arg7 : memref<128x128xf32, #tpu.memory_space<vmem>>) dst(%dma_wait3A_31 : memref<128x128xf32, #tpu.memory_space<hbm>>)
    %dma_wait3A_32 = arith.constant 0 : i32
    %dma_wait3A_33 = arith.constant 0 : i32
    %dma_wait3A_34 = tpu.memref_slice %arg5[%dma_wait3A_32, %dma_wait3A_33] : memref<819200x128xf32, #tpu.memory_space<hbm>> -> memref<128x128xf32, #tpu.memory_space<hbm>>
    %dma_wait3A_35 = arith.constant 0 : i32
    %dma_wait3A_36 = arith.constant 0 : i32
    %dma_wait3A_37 = tpu.memref_slice %arg5[%dma_wait3A_35, %dma_wait3A_36] : memref<819200x128xf32, #tpu.memory_space<hbm>> -> memref<128x128xf32, #tpu.memory_space<hbm>>
    tpu.wait_dma2 semaphore(%arg18 : memref<!tpu.dma_semaphore, #tpu.memory_space<semaphore_mem>>) src(%arg8 : memref<128x128xf32, #tpu.memory_space<vmem>>) dst(%dma_wait3A_37 : memref<128x128xf32, #tpu.memory_space<hbm>>)
    %dma_wait3A_38 = arith.constant 0 : i32
    %dma_wait3A_39 = arith.constant 0 : i32
    %dma_wait3A_40 = tpu.memref_slice %arg5[%dma_wait3A_38, %dma_wait3A_39] : memref<819200x128xf32, #tpu.memory_space<hbm>> -> memref<128x128xf32, #tpu.memory_space<hbm>>
    %dma_wait3A_41 = arith.constant 0 : i32
    %dma_wait3A_42 = arith.constant 0 : i32
    %dma_wait3A_43 = tpu.memref_slice %arg5[%dma_wait3A_41, %dma_wait3A_42] : memref<819200x128xf32, #tpu.memory_space<hbm>> -> memref<128x128xf32, #tpu.memory_space<hbm>>
    tpu.wait_dma2 semaphore(%arg19 : memref<!tpu.dma_semaphore, #tpu.memory_space<semaphore_mem>>) src(%arg9 : memref<128x128xf32, #tpu.memory_space<vmem>>) dst(%dma_wait3A_43 : memref<128x128xf32, #tpu.memory_space<hbm>>)
    return
  }
}

</mosaic_0001>

<sc_bundles>
// kernel: _run.3.cloned.1.call-start
scs
__scs_entry_jumppad:
0x0: {  	(pc) =	sbr.rel $0x88, $3  }
0x1: {  	(tag) =	ssettag $0x0;
	lr =	simm.s32 $0x1  }
0x2: {  	[smem:$0x3F9E] =	sst lr;
	_ =	strace $0xD0000000  }
0x3: {  	_ = 	snop  }
0x4: {  	_ = 	snop  }
0x5: {  	_ = 	snop  }
0x6: {  	_ = 	snop  }
0x7: {  	_ = 	snop  }
__scs_overlays_trampoline_lowered:
0x8: {  	[smem:$0x3FAD] =	sst s0  }
0x9: {  	[smem:$0x3FAE] =	sst s1  }
0xa: {  	[smem:$0x3FAF] =	sst s2  }
0xb: {  	[smem:$0x3FB0] =	sst s3  }
0xc: {  	[smem:$0x3FB1] =	sst s4  }
0xd: {  	[smem:$0x3FB2] =	sst s5  }
0xe: {  	[smem:$0x3FB3] =	sst s6  }
0xf: {  	[smem:$0x3FB4] =	sst s7  }
0x10: {  	[smem:$0x3FB5] =	sst s8  }
0x11: {  	[smem:$0x3FB6] =	sst s9;
	s0 =	simm.s32 @!p0 $0x0  }
0x12: {  	s1 =	sld [smem:$0x3F9C];
	s0 =	simm.s32 @p0 $0x1  }
0x13: {  	[smem:$0x3FB7] =	sst s0;
	s0 =	simm.s32 @!p1 $0x0  }
0x14: {  	s2 =	sld [smem:$0x3F9B];
	s0 =	simm.s32 @p1 $0x1  }
0x15: {  	[smem:$0x3FB8] =	sst s0;
	s0 =	simm.s32 @!p2 $0x0  }
0x16: {  	s3 =	sld [smem:$0x3FDB];
	s0 =	simm.s32 @p2 $0x1  }
0x17: {  	s4 =	simm.s32 $0x1BF5;
	[smem:$0x3FBA] =	sst s0  }
0x18: {  	s0 =	sld [smem:$0x3F9D];
	_ =	swait.ge [sflag:s4], $0x0  }
0x19: {  	s7 =	sld [smem:$0x3F9E]  }
0x1a: {  	s8 =	sadd.s32 $0xFFFFE003, lr  }
0x1b: {  	s9 =	sadd.s32 $0xFFFFFEF7, lr;
	s5 =	simm.s32 $0xFFFFFFFF;
	p2 =	slt.u32 s8, $0xFFFFF086  }
0x1c: {  	p1 =	slt.u32 s9, $0xF7A;
	s5 =	simm.s32 @!p2 $0x0  }
0x1d: {  	s5 =	simm.s32 @p1 $0x1;
	p0 =	seq.s32 s7, s2  }
0x1e: {  	s7 =	smul.u32 @!p0 $0xF7A, s2;
	p2 =	seq.s32 @!p0 s5, $0x0  }
0x1f: {  	s9 =	smul.u32 $0xF7A, s1;
	s8 =	simm.s32 @!p0 $0x1BF5;
	p2 =	por !p2, p0  }
0x20: {  	[sflag:s8] =	ssyncset.s32 @!p0 $0xFFFFF086;
	s6 =	sadd.s32 @!p0 s3, s7;
	s7 =	simm.s32 @!p0 $0x108  }
0x21: {  	s3 =	sadd.s32 s3, s9;
	s6 =	sadd.s32 @!p0 $0x88, s6;
	s7 =	simm.s32 @p2 $0x1082  }
0x22: {  	[simem:s7], [sflag:s8] =	dma.local @!p0 [hbm:s6], $0xF7A  }
0x23: {  	s9 =	sor.u32 $0xD0000000, s2;
	s6 =	simm.s32 $0x108;
	_ =	swait.ge @!p0 [sflag:s8], $0x0  }
0x24: {  	s3 =	sadd.s32 $0x88, s3;
	s6 =	simm.s32 @!p1 $0x1082;
	[sflag:s4] =	ssyncset.s32 $0xFFFFF086  }
0x25: {  	[simem:s6], [sflag:s4] =	dma.local [hbm:s3], $0xF7A  }
0x26: {  	[smem:$0x3F9E] =	sst s1;
	(tag) =	ssettag s2;
	_ =	strace s9  }
0x27: {  	s1 =	sld [smem:$0x3FAE]  }
0x28: {  	s2 =	sld [smem:$0x3FAF]  }
0x29: {  	s4 =	sld [smem:$0x3FB1]  }
0x2a: {  	p0 =	seq.s32 s5, $0x0;
	s5 =	sld [smem:$0x3FB2]  }
0x2b: {  	s6 =	sld [smem:$0x3FB3]  }
0x2c: {  	s7 =	sld [smem:$0x3FB4]  }
0x2d: {  	s3 =	simm.s32 $0x108;
	s8 =	sld [smem:$0x3FB5]  }
0x2e: {  	s3 =	simm.s32 @!p0 $0x1082;
	s9 =	sld [smem:$0x3FB6]  }
0x2f: {  	lr =	sadd.s32 s0, s3;
	s0 =	sld [smem:$0x3FAD]  }
0x30: {  	s3 =	sld [smem:$0x3FB0]  }
0x31: {  	[smem:$0x3FB9] =	sst s10  }
0x32: {  	s10 =	sld [smem:$0x3FB7];
	_ =	sdelay $0x3  }
0x33: {  	p0 =	seq.s32 s10, $0x1;
	s10 =	sld [smem:$0x3FB9];
	_ =	sdelay $0x3  }
0x34: {  	[smem:$0x3FB9] =	sst s10  }
0x35: {  	s10 =	sld [smem:$0x3FB8];
	_ =	sdelay $0x3  }
0x36: {  	p1 =	seq.s32 s10, $0x1;
	s10 =	sld [smem:$0x3FB9];
	_ =	sdelay $0x3  }
0x37: {  	[smem:$0x3FB9] =	sst s10  }
0x38: {  	s10 =	sld [smem:$0x3FBA]  }
0x39: {  	_ = 	snop;
	(pc) =	sbr.ind lr, $3  }
0x3a: {  	_ = 	snop  }
0x3b: {  	_ = 	snop  }
0x3c: {  	p2 =	seq.s32 s10, $0x1;
	s10 =	sld [smem:$0x3FB9]  }
0x3d: {  	_ =	shalt  }
0x3e: {  	_ =	shalt  }
0x3f: {  	_ =	shalt  }
0x40: {  	_ =	shalt  }
0x41: {  	_ =	shalt  }
0x42: {  	_ =	shalt  }
0x43: {  	_ =	shalt  }
0x44: {  	_ =	shalt  }
0x45: {  	_ =	shalt  }
0x46: {  	_ =	shalt  }
0x47: {  	_ =	shalt  }
0x48: {  	_ =	shalt  }
0x49: {  	_ =	shalt  }
0x4a: {  	_ =	shalt  }
0x4b: {  	_ =	shalt  }
0x4c: {  	_ =	shalt  }
0x4d: {  	_ =	shalt  }
0x4e: {  	_ =	shalt  }
0x4f: {  	_ =	shalt  }
0x50: {  	_ =	shalt  }
0x51: {  	_ =	shalt  }
0x52: {  	_ =	shalt  }
0x53: {  	_ =	shalt  }
0x54: {  	_ =	shalt  }
0x55: {  	_ =	shalt  }
0x56: {  	_ =	shalt  }
0x57: {  	_ =	shalt  }
0x58: {  	_ =	shalt  }
0x59: {  	_ =	shalt  }
0x5a: {  	_ =	shalt  }
0x5b: {  	_ =	shalt  }
0x5c: {  	_ =	shalt  }
0x5d: {  	_ =	shalt  }
0x5e: {  	_ =	shalt  }
0x5f: {  	_ =	shalt  }
0x60: {  	_ =	shalt  }
0x61: {  	_ =	shalt  }
0x62: {  	_ =	shalt  }
0x63: {  	_ =	shalt  }
0x64: {  	_ =	shalt  }
0x65: {  	_ =	shalt  }
0x66: {  	_ =	shalt  }
0x67: {  	_ =	shalt  }
0x68: {  	_ =	shalt  }
0x69: {  	_ =	shalt  }
0x6a: {  	_ =	shalt  }
0x6b: {  	_ =	shalt  }
0x6c: {  	_ =	shalt  }
0x6d: {  	_ =	shalt  }
0x6e: {  	_ =	shalt  }
0x6f: {  	_ =	shalt  }
0x70: {  	_ =	shalt  }
0x71: {  	_ =	shalt  }
0x72: {  	_ =	shalt  }
0x73: {  	_ =	shalt  }
0x74: {  	_ =	shalt  }
0x75: {  	_ =	shalt  }
0x76: {  	_ =	shalt  }
0x77: {  	_ =	shalt  }
0x78: {  	_ =	shalt  }
0x79: {  	_ =	shalt  }
0x7a: {  	_ =	shalt  }
0x7b: {  	_ =	shalt  }
0x7c: {  	_ =	shalt  }
0x7d: {  	_ =	shalt  }
0x7e: {  	_ =	shalt  }
0x7f: {  	_ =	shalt  }
0x80: {  	_ =	shalt  }
0x81: {  	_ =	shalt  }
0x82: {  	_ =	shalt  }
0x83: {  	_ =	shalt  }
0x84: {  	_ =	shalt  }
0x85: {  	_ =	shalt  }
0x86: {  	_ =	shalt  }
0x87: {  	_ =	shalt  }
.Lfunc_end0:
.L_simem_size_0:
called_computation_lowered:
.L_overlay_start_0:
0x88: {  	s2 =	sld [smem:$0x3FD9]  }
0x89: {  	s3 =	sld [smem:$0x3FFE];
	_ =	sdelay $0x1  }
0x8a: {  	s1 =	srdreg.scid  }
0x8b: {  	s0 =	sand.u32 $0x1, s1  }
0x8c: {  	s18 =	sshll.u32 s0, $0xA;
	s2 =	sadd.s32 s3, s2  }
0x8d: {  	s2 =	sadd.s32 s2, s18  }
0x8e: {  	[smem:$0x3FC5] =	sst s2  }
0x8f: {  	_ = 	snop  }
0x90: {  	s2 =	sld [smem:$0x3FC9]  }
0x91: {  	s19 =	sld [smem:$0x3FC8]  }
0x92: {  	s4 =	sld [smem:$0x3FC7]  }
0x93: {  	s5 =	sld [smem:$0x3FD0];
	(tm) =	ssettm $0x1  }
0x94: {  	s6 =	sld [smem:$0x3FFB];
	_ =	sdelay $0x3  }
0x95: {  	_ =	strace s6  }
0x96: {  	s6 =	sld [smem:$0x3FFC];
	_ =	sdelay $0x3  }
0x97: {  	_ =	strace s6  }
0x98: {  	s6 =	sld [smem:$0x3FFD];
	_ =	sdelay $0x3  }
0x99: {  	_ =	strace s6  }
0x9a: {  	_ =	strace $0x8FFFFFFF  }
0x9b: {  	s20 =	sld [smem:$0x3FDB];
	_ =	sdelay $0x1  }
0x9c: {  	s7 =	simm.s32 $_scs_section_size  }
0x9d: {  	s8 =	simm.s32 $_size__tile_overlayer_lowered;
	s9 =	simm.s32 $_tile_overlayer_lowered  }
0x9e: {  	s23 =	simm.s32 $0x1BFF;
	s22 =	sshll.u32 s9, $0x1;
	s6 =	sadd.s32 s7, s20  }
0x9f: {  	s10 =	simm.s32 $0x0;
	s21 =	sshll.u32 s8, $0x1;
	s8 =	sadd.s32 s22, s6  }
0xa0: {  	[timem:s10], [sflag:s23] =	dma.local [hbm:s8], s21  }
0xa1: {  	_ =	swait.ge [sflag:s23], s21  }
0xa2: {  	s7 =	ssub.s32 $0x0, s21;
	[sflag:s23] =	ssyncset.done $0x0  }
0xa3: {  	[sflag:s23] =	ssyncadd.s32 s7;
	_ =	sdelay $0x1  }
0xa4: {  	s24 =	simm.s32 $0x1B8B  }
0xa5: {  	_ =	swait.ge [sflag:s24], $0x1  }
0xa6: {  	[sflag:s24] =	ssyncset.done $0x0  }
0xa7: {  	s25 =	simm.s32 $0x1B8E;
	[sflag:s24] =	ssyncadd.s32 $0xFFFFFFFF  }
0xa8: {  	s26 =	simm.s32 $execute0_lowered;
	[smem:$0x3FD2] =	sst s25  }
0xa9: {  	s7 =	sshll.u32 s26, $0x1;
	_ =	strace $0x80000046;
	[dreg:$0x1] =	wrdreg $0xFFFFFFFF  }
0xaa: {  	s28 =	simm.s32 $_size_execute0_lowered;
	s6 =	sadd.s32 s6, s7;
	[dreg:$0x0] =	wrdreg $0x0  }
0xab: {  	s7 =	sshll.u32 s28, $0x1;
	[dreg:$0x2] =	wrdreg s6  }
0xac: {  	[dreg:$0x3] =	wrdreg s7  }
0xad: {  	[dreg:$0x4] =	wrdreg $0xC0  }
0xae: {  	_ =	task [dreg:s10], $0x5FFFF  }
0xaf: {  	[dreg:$0x1] =	wrdreg $0xFFFFFFFF  }
0xb0: {  	[dreg:$0x0] =	wrdreg $0x60  }
0xb1: {  	[dreg:$0x2] =	wrdreg s2  }
0xb2: {  	[dreg:$0x3] =	wrdreg s19  }
0xb3: {  	[dreg:$0x4] =	wrdreg s4  }
0xb4: {  	[dreg:$0x5] =	wrdreg s5  }
0xb5: {  	[dreg:$0x6] =	wrdreg $0x9  }
0xb6: {  	_ =	task.clear_ibuf [dreg:s10], $0x7FFFF;
	_ =	strace $0x90000046  }
0xb7: {  	s29 =	simm.s32 $0x9;
	_ =	strace $0x80000048  }
0xb8: {  	_ =	swait.ge [sflag:s29], $0x1  }
0xb9: {  	[sflag:s29] =	ssyncadd.s32 $0xFFFFFFFF  }
0xba: {  	_ =	strace $0x90000048  }
0xbb: {  	_ =	sfence  }
0xbc: {  	s30 =	sld [smem:$0x0];
	_ =	sdelay $0x2  }
0xbd: {  	s31 =	sshll.u32 s1, $0xD;
	s1 =	sshrl.u32 s1, $0x2  }
0xbe: {  	s3 =	sand.u32 $0x4000, s31;
	s1 =	sadd.s32 s1, s30  }
0xbf: {  	s0 =	sor.u32 s3, s0;
	s1 =	sshll.u32 s1, $0x11  }
0xc0: {  	s0 =	sor.u32 s1, s0  }
0xc1: {  	s0 =	sadd.s32 $0x8F2B, s0  }
0xc2: {  	[sflag:s0] =	ssyncadd.remote.s32 $0x1  }
0xc3: {  	_ =	sfence.sel $0xFFFF  }
0xc4: {  	[dreg:$0x0] =	wrdreg $0xFFFFFFFF;
	(pc) =	sbr.abs _section_cstart, $3  }
0xc5: {  	[dreg:$0x1] =	wrdreg $0xFFFFFFFF  }
0xc6: {  	_ =	task.clear_ibuf [dreg:s10], $0x2FFFF;
	_ =	strace $0x9FFFFFFF  }
0xc7: {  	(tm) =	ssettm $0x7FFFFFFF  }
tec
execute0_lowered:
.L_overlay_start_1:
0x0: {  	(tag) =	ssettag $0x1  }
0x1: {  	s0 =	rddreg [dreg:$0x0]  }
0x2: {  	s2 =	rddreg [dreg:$0x1]  }
0x3: {  	s4 =	rddreg [dreg:$0x3];
	s1 =	srdreg.scid  }
0x4: {  	s3 =	stileid.u32;
	s5 =	simm.s32 $0x0;
	s30 =	simm.s32 $0x200  }
0x5: {  	s19 =	simm.s32 $0x80;
	s1 =	sand.u32 $0x1, s1;
	s3 =	sshll.u32 s3, $0x1  }
0x6: {  	s31 =	simm.s32 $0x280;
	s6 =	ssub.s32 $0x2, s1;
	s1 =	sor.u32 s1, s3  }
0x7: {  	s26 =	simm.s32 $0x8000;
	[smem:$0x7FF] =	sst s5;
	s7 =	smul.u32 $0xC80, s1  }
0x8: {  	_ =	strace $0x80000047;
	[dreg:$0x6] =	wrdreg s30;
	s28 =	sshrl.u32 s6, $0x1  }
0x9: {  	[dreg:$0x7] =	wrdreg s31;
	s3 =	ssub.s32 s6, s28;
	s0 =	sadd.s32 s0, s7  }
0xa: {  	s20 =	simm.s32 $0x4;
	s29 =	smax.u32 s3, $0x1;
	[dreg:$0xe] =	wrdreg s0  }
0xb: {  	s7 =	smul.u32 $0x6400, s1;
	s3 =	simm.s32 $0x0;
	[dreg:$0xf] =	wrdreg s29  }
.LBB2_1:
0xc: {  	[dreg:$0x10] =	wrdreg s3  }
0xd: {  	s0 =	rddreg [dreg:$0xe];
	s1 =	simm.s32 $0x10000;
	s22 =	simm.s32 $0x9  }
0xe: {  	[tilespmem:s1], [sflag:$0x9] =	stream.linear.gather [hbm4b:s0+s5], $0x6400, $0x38;
	[tilespmem:$0x1C800] =	vst v63  }
0xf: {  	_ =	swait.ge [sflag:s22], $0x6400  }
0x10: {  	[sflag:s22] =	ssyncset.done $0x0  }
0x11: {  	s6 =	simm.s32 $0x16400;
	[sflag:s22] =	ssyncadd.s32 $0xFFFF9C00  }
0x12: {  	s24 =	simm.s32 $0x10080;
	s25 =	simm.s32 $0x4000;
	s23 =	rddreg [dreg:$0x2]  }
0x13: {  	[tilespmem:s6], [sflag:$0x9] =	stream.linear.gather [hbm4b:s23+s5], $0x6400, $0x38;
	[tilespmem:$0x1C800] =	vst v63  }
0x14: {  	s13 =	simm.s32 $0x4380;
	s28 =	simm.s32 $0x8380;
	_ =	swait.ge [sflag:s22], $0x6400  }
0x15: {  	s29 =	simm.s32 $0xC380;
	s30 =	simm.s32 $0x180;
	[sflag:s22] =	ssyncset.done $0x0  }
0x16: {  	s31 =	simm.s32 $0x100;
	s3 =	simm.s32 $0x0;
	[sflag:s22] =	ssyncadd.s32 $0xFFFF9C00  }
0x17: {  	[tilespmem:s5], [sflag:$0x1] =	stream.indirect.gather [hbm4b:s2+s19], $0x80, s1, s19, $0xb8;
	[tilespmem:$0x1C800] =	vst v63  }
0x18: {  	s11 =	simm.s32 $0x0;
	s0 =	simm.s32 $0x80;
	s1 =	simm.s32 $0x0  }
0x19: {  	[tilespmem:s25], [sflag:$0x2] =	stream.indirect.gather [hbm4b:s2+s19], $0x80, s24, s19, $0xb8;
	[tilespmem:$0x1C800] =	vst v63  }
.LBB2_2:
0x1a: {  	s6 =	smulhi.u32 $0x51EB851F, s30  }
0x1b: {  	s9 =	smulhi.u32 $0x51EB851F, s31  }
0x1c: {  	s10 =	smulhi.u32 $0x51EB851F, s0  }
0x1d: {  	s17 =	smulhi.u32 $0x51EB851F, s1;
	s6 =	sshrl.u32 s6, $0x6  }
0x1e: {  	s8 =	smul.u32 $0xFFFF9C00, s6  }
0x1f: {  	s9 =	sshrl.u32 s9, $0x6;
	s6 =	smul.u32 $0xC8, s6  }
0x20: {  	p0 =	seq.s32 s11, $0x0;
	s24 =	simm.s32 $0x1;
	s12 =	smul.u32 $0xFFFF9C00, s9  }
0x21: {  	s10 =	sshrl.u32 s10, $0x6;
	s9 =	smul.u32 $0xC8, s9;
	[dreg:$0xd] =	wrdreg s8  }
0x22: {  	s16 =	smul.u32 $0xFFFF9C00, s10;
	s6 =	ssub.s32 s1, s6;
	[dreg:$0xb] =	wrdreg s12  }
0x23: {  	s10 =	smul.u32 $0xC8, s10;
	[dreg:$0xc] =	wrdreg s6;
	s6 =	sshrl.u32 s17, $0x6  }
0x24: {  	s9 =	ssub.s32 s1, s9;
	[dreg:$0x9] =	wrdreg s16;
	s21 =	smul.u32 $0xC8, s6  }
0x25: {  	s14 =	simm.s32 @!p0 $0x0;
	s18 =	ssub.s32 s1, s10;
	[dreg:$0xa] =	wrdreg s9  }
0x26: {  	s12 =	sshll.u32 s11, $0x2;
	[dreg:$0x8] =	wrdreg s18;
	s22 =	ssub.s32 s1, s21  }
0x27: {  	s10 =	simm.s32 @!p0 $0x7;
	s23 =	sor.u32 $0x2, s12;
	[dreg:$0x5] =	wrdreg s22  }
0x28: {  	s14 =	simm.s32 @p0 $0x1;
	s9 =	sshll.u32 s23, $0x7;
	_ =	swait.ge @!p0 [sflag:s10], $0x4000  }
0x29: {  	s6 =	smul.u32 $0x6400, s6;
	s8 =	sand.u32 $0x3FFFFF80, s9;
	[sflag:s10] =	ssyncset.done @!p0 $0x0  }
0x2a: {  	s8 =	sadd.s32 $0x10000, s8;
	[smem:$0x7FD] =	sst s14;
	[sflag:s10] =	ssyncadd.s32 @!p0 $0xFFFFC000  }
0x2b: {  	[tilespmem:s26], [sflag:$0x3] =	stream.indirect.gather [hbm4b:s2+s19], $0x80, s8, s19, $0xb8;
	[tilespmem:$0x1C800] =	vst v63  }
0x2c: {  	_ =	swait.ge [sflag:s24], $0x4000  }
0x2d: {  	s21 =	ssub.s32 s3, s6;
	s6 =	simm.s32 $0x80;
	s25 =	rddreg [dreg:$0x5]  }
0x2e: {  	[sflag:s24] =	ssyncset.done $0x0;
	s17 =	rddreg [dreg:$0x6];
	s26 =	sadd.s32 $0xFFFFFFF8, s25  }
0x2f: {  	[sflag:s24] =	ssyncadd.s32 $0xFFFFC000;
	s8 =	sadd.s32 $0xF, s26;
	s16 =	sadd.s32 $0x9, s26  }
0x30: {  	s15 =	sadd.s32 $0xA, s26;
	p0 =	slt.u32 s8, $0xC8;
	s8 =	simm.s32 $0x380  }
0x31: {  	s23 =	sadd.s32 $0xB, s26;
	s8 =	simm.s32 @!p0 $0xFFFF9F80;
	p0 =	slt.u32 s16, $0xC8  }
0x32: {  	s6 =	simm.s32 @!p0 $0xFFFF9C80;
	p0 =	slt.u32 s15, $0xC8;
	s15 =	simm.s32 $0x100  }
0x33: {  	s24 =	sadd.s32 $0xC, s26;
	s14 =	sadd.s32 s8, s21;
	s15 =	simm.s32 @!p0 $0xFFFF9D00  }
0x34: {  	v0 =	vld [tilespmem:s14+$0x16400];
	p0 =	slt.u32 s23, $0xC8;
	s23 =	simm.s32 $0x180;
	s6 =	sadd.s32 s6, s21  }
0x35: {  	s23 =	simm.s32 @!p0 $0xFFFF9D80;
	p0 =	slt.u32 s24, $0xC8;
	s15 =	sadd.s32 s15, s21;
	v1 =	vld [tilespmem:s6+$0x16400]  }
0x36: {  	s25 =	sadd.s32 $0xD, s26;
	s17 =	simm.s32 @!p0 $0xFFFF9E00;
	s23 =	sadd.s32 s23, s21;
	v2 =	vld [tilespmem:s15+$0x16400]  }
0x37: {  	s22 =	rddreg [dreg:$0x7];
	p0 =	slt.u32 s25, $0xC8;
	s24 =	sadd.s32 s17, s21;
	v3 =	vld [tilespmem:s23+$0x16400]  }
0x38: {  	s18 =	sadd.s32 $0xE, s26;
	s8 =	simm.s32 $0x3F0;
	s22 =	simm.s32 @!p0 $0xFFFF9E80;
	v4 =	vld [tilespmem:s24+$0x16400]  }
0x39: {  	p0 =	slt.u32 s18, $0xC8;
	s17 =	simm.s32 $0x300;
	s10 =	sadd.s32 s22, s21;
	[tilespmem:s8+$0xFFFFFF90] =	vst.add.f32.msk $0xffff, v0  }
0x3a: {  	s26 =	sadd.s32 $0x8, s26;
	s17 =	simm.s32 @!p0 $0xFFFF9F00;
	v5 =	vld [tilespmem:s10+$0x16400]  }
0x3b: {  	p0 =	slt.u32 s26, $0xC8;
	s22 =	sadd.s32 $0xFFFF9C00, s21;
	s25 =	sadd.s32 s17, s21;
	v0 =	vld [tilespmem:s14+$0x16410]  }
0x3c: {  	s22 =	smov.u32 @p0 s21;
	v6 =	vld [tilespmem:s25+$0x16400]  }
0x3d: {  	v7 =	vld [tilespmem:s22+$0x16400]  }
0x3e: {  	[tilespmem:s8+$0xFFFFFC90] =	vst.add.f32.msk $0xffff, v1  }
0x3f: {  	[tilespmem:s8+$0xFFFFFD10] =	vst.add.f32.msk $0xffff, v2  }
0x40: {  	v1 =	vld [tilespmem:s6+$0x16410]  }
0x41: {  	[tilespmem:s8+$0xFFFFFD90] =	vst.add.f32.msk $0xffff, v3  }
0x42: {  	v2 =	vld [tilespmem:s15+$0x16410]  }
0x43: {  	[tilespmem:s8+$0xFFFFFE10] =	vst.add.f32.msk $0xffff, v4  }
0x44: {  	v3 =	vld [tilespmem:s23+$0x16410]  }
0x45: {  	[tilespmem:s8+$0xFFFFFE90] =	vst.add.f32.msk $0xffff, v5  }
0x46: {  	v4 =	vld [tilespmem:s24+$0x16410]  }
0x47: {  	[tilespmem:s8+$0xFFFFFFA0] =	vst.add.f32.msk $0xffff, v0  }
0x48: {  	[tilespmem:s8+$0xFFFFFF10] =	vst.add.f32.msk $0xffff, v6  }
0x49: {  	[tilespmem:s8+$0xFFFFFC10] =	vst.add.f32.msk $0xffff, v7  }
0x4a: {  	v5 =	vld [tilespmem:s10+$0x16410]  }
0x4b: {  	v0 =	vld [tilespmem:s14+$0x16420]  }
0x4c: {  	v6 =	vld [tilespmem:s25+$0x16410]  }
0x4d: {  	v7 =	vld [tilespmem:s22+$0x16410]  }
0x4e: {  	[tilespmem:s8+$0xFFFFFCA0] =	vst.add.f32.msk $0xffff, v1  }
0x4f: {  	[tilespmem:s8+$0xFFFFFD20] =	vst.add.f32.msk $0xffff, v2  }
0x50: {  	[tilespmem:s8+$0xFFFFFDA0] =	vst.add.f32.msk $0xffff, v3  }
0x51: {  	v1 =	vld [tilespmem:s15+$0x16420]  }
0x52: {  	[tilespmem:s8+$0xFFFFFE20] =	vst.add.f32.msk $0xffff, v4  }
0x53: {  	v2 =	vld [tilespmem:s23+$0x16420]  }
0x54: {  	[tilespmem:s8+$0xFFFFFEA0] =	vst.add.f32.msk $0xffff, v5  }
0x55: {  	v3 =	vld [tilespmem:s24+$0x16420]  }
0x56: {  	[tilespmem:s8+$0xFFFFFFB0] =	vst.add.f32.msk $0xffff, v0  }
0x57: {  	[tilespmem:s8+$0xFFFFFF20] =	vst.add.f32.msk $0xffff, v6  }
0x58: {  	[tilespmem:s8+$0xFFFFFC20] =	vst.add.f32.msk $0xffff, v7  }
0x59: {  	v61 =	vld [tilespmem:s10+$0x16420]  }
0x5a: {  	v0 =	vld [tilespmem:s14+$0x16430]  }
0x5b: {  	v62 =	vld [tilespmem:s25+$0x16420]  }
0x5c: {  	v63 =	vld [tilespmem:s22+$0x16420]  }
0x5d: {  	[tilespmem:s8+$0xFFFFFD30] =	vst.add.f32.msk $0xffff, v1  }
0x5e: {  	[tilespmem:s8+$0xFFFFFDB0] =	vst.add.f32.msk $0xffff, v2  }
0x5f: {  	v1 =	vld [tilespmem:s15+$0x16430]  }
0x60: {  	[tilespmem:s8+$0xFFFFFE30] =	vst.add.f32.msk $0xffff, v3  }
0x61: {  	v2 =	vld [tilespmem:s23+$0x16430]  }
0x62: {  	[tilespmem:s8+$0xFFFFFEB0] =	vst.add.f32.msk $0xffff, v61  }
0x63: {  	v3 =	vld [tilespmem:s24+$0x16430]  }
0x64: {  	[tilespmem:s8+$0xFFFFFFC0] =	vst.add.f32.msk $0xffff, v0  }
0x65: {  	[tilespmem:s8+$0xFFFFFF30] =	vst.add.f32.msk $0xffff, v62  }
0x66: {  	[tilespmem:s8+$0xFFFFFC30] =	vst.add.f32.msk $0xffff, v63  }
0x67: {  	v4 =	vld [tilespmem:s10+$0x16430]  }
0x68: {  	v0 =	vld [tilespmem:s14+$0x16440]  }
0x69: {  	v5 =	vld [tilespmem:s25+$0x16430]  }
0x6a: {  	v6 =	vld [tilespmem:s22+$0x16430]  }
0x6b: {  	[tilespmem:s8+$0xFFFFFD40] =	vst.add.f32.msk $0xffff, v1  }
0x6c: {  	[tilespmem:s8+$0xFFFFFDC0] =	vst.add.f32.msk $0xffff, v2  }
0x6d: {  	v1 =	vld [tilespmem:s15+$0x16440]  }
0x6e: {  	[tilespmem:s8+$0xFFFFFE40] =	vst.add.f32.msk $0xffff, v3  }
0x6f: {  	v2 =	vld [tilespmem:s23+$0x16440]  }
0x70: {  	[tilespmem:s8+$0xFFFFFEC0] =	vst.add.f32.msk $0xffff, v4  }
0x71: {  	v3 =	vld [tilespmem:s24+$0x16440]  }
0x72: {  	[tilespmem:s8+$0xFFFFFFD0] =	vst.add.f32.msk $0xffff, v0  }
0x73: {  	[tilespmem:s8+$0xFFFFFF40] =	vst.add.f32.msk $0xffff, v5  }
0x74: {  	[tilespmem:s8+$0xFFFFFC40] =	vst.add.f32.msk $0xffff, v6  }
0x75: {  	v4 =	vld [tilespmem:s10+$0x16440]  }
0x76: {  	v0 =	vld [tilespmem:s14+$0x16450]  }
0x77: {  	v5 =	vld [tilespmem:s25+$0x16440]  }
0x78: {  	v6 =	vld [tilespmem:s22+$0x16440]  }
0x79: {  	[tilespmem:s8+$0xFFFFFD50] =	vst.add.f32.msk $0xffff, v1  }
0x7a: {  	[tilespmem:s8+$0xFFFFFDD0] =	vst.add.f32.msk $0xffff, v2  }
0x7b: {  	[tilespmem:s8+$0xFFFFFFE0] =	vst.add.f32.msk $0xffff, v0  }
0x7c: {  	v0 =	vld [tilespmem:s14+$0x16460]  }
0x7d: {  	v1 =	vld [tilespmem:s15+$0x16450]  }
0x7e: {  	[tilespmem:s8+$0xFFFFFE50] =	vst.add.f32.msk $0xffff, v3  }
0x7f: {  	v2 =	vld [tilespmem:s23+$0x16450]  }
0x80: {  	[tilespmem:s8+$0xFFFFFED0] =	vst.add.f32.msk $0xffff, v4  }
0x81: {  	[tilespmem:s8+$0xFFFFFFF0] =	vst.add.f32.msk $0xffff, v0  }
0x82: {  	v0 =	vld [tilespmem:s14+$0x16470]  }
0x83: {  	v3 =	vld [tilespmem:s24+$0x16450]  }
0x84: {  	[tilespmem:s8+$0xFFFFFF50] =	vst.add.f32.msk $0xffff, v5  }
0x85: {  	[tilespmem:s8+$0xFFFFFC50] =	vst.add.f32.msk $0xffff, v6  }
0x86: {  	v4 =	vld [tilespmem:s10+$0x16450]  }
0x87: {  	[tilespmem:s8+$0x0] =	vst.add.f32.msk $0xffff, v0  }
0x88: {  	v0 =	vld [tilespmem:s6+$0x16420]  }
0x89: {  	v5 =	vld [tilespmem:s25+$0x16450]  }
0x8a: {  	v6 =	vld [tilespmem:s22+$0x16450]  }
0x8b: {  	[tilespmem:s8+$0xFFFFFD60] =	vst.add.f32.msk $0xffff, v1  }
0x8c: {  	[tilespmem:s8+$0xFFFFFDE0] =	vst.add.f32.msk $0xffff, v2  }
0x8d: {  	[tilespmem:s8+$0xFFFFFCB0] =	vst.add.f32.msk $0xffff, v0  }
0x8e: {  	v0 =	vld [tilespmem:s6+$0x16430]  }
0x8f: {  	v1 =	vld [tilespmem:s15+$0x16460]  }
0x90: {  	[tilespmem:s8+$0xFFFFFE60] =	vst.add.f32.msk $0xffff, v3  }
0x91: {  	v2 =	vld [tilespmem:s23+$0x16460]  }
0x92: {  	[tilespmem:s8+$0xFFFFFEE0] =	vst.add.f32.msk $0xffff, v4  }
0x93: {  	[tilespmem:s8+$0xFFFFFCC0] =	vst.add.f32.msk $0xffff, v0  }
0x94: {  	v0 =	vld [tilespmem:s6+$0x16440]  }
0x95: {  	v3 =	vld [tilespmem:s24+$0x16460]  }
0x96: {  	[tilespmem:s8+$0xFFFFFF60] =	vst.add.f32.msk $0xffff, v5  }
0x97: {  	[tilespmem:s8+$0xFFFFFC60] =	vst.add.f32.msk $0xffff, v6  }
0x98: {  	v4 =	vld [tilespmem:s10+$0x16460]  }
0x99: {  	[tilespmem:s8+$0xFFFFFCD0] =	vst.add.f32.msk $0xffff, v0  }
0x9a: {  	v0 =	vld [tilespmem:s6+$0x16450]  }
0x9b: {  	v5 =	vld [tilespmem:s25+$0x16460]  }
0x9c: {  	v6 =	vld [tilespmem:s22+$0x16460]  }
0x9d: {  	[tilespmem:s8+$0xFFFFFD70] =	vst.add.f32.msk $0xffff, v1  }
0x9e: {  	[tilespmem:s8+$0xFFFFFDF0] =	vst.add.f32.msk $0xffff, v2  }
0x9f: {  	[tilespmem:s8+$0xFFFFFCE0] =	vst.add.f32.msk $0xffff, v0  }
0xa0: {  	v0 =	vld [tilespmem:s6+$0x16460]  }
0xa1: {  	[tilespmem:s8+$0xFFFFFE70] =	vst.add.f32.msk $0xffff, v3  }
0xa2: {  	[tilespmem:s8+$0xFFFFFEF0] =	vst.add.f32.msk $0xffff, v4  }
0xa3: {  	[tilespmem:s8+$0xFFFFFF70] =	vst.add.f32.msk $0xffff, v5  }
0xa4: {  	[tilespmem:s8+$0xFFFFFC70] =	vst.add.f32.msk $0xffff, v6  }
0xa5: {  	[tilespmem:s8+$0xFFFFFCF0] =	vst.add.f32.msk $0xffff, v0  }
0xa6: {  	v0 =	vld [tilespmem:s15+$0x16470]  }
0xa7: {  	s26 =	simm.s32 $0x0;
	v1 =	vld [tilespmem:s6+$0x16470];
	s6 =	sshll.u32 s11, $0x9  }
.LBB2_3:
0xa8: {  	v2 =	vld [tilespmem:s23+$0x16470]  }
0xa9: {  	v3 =	vld [tilespmem:s24+$0x16470]  }
0xaa: {  	s14 =	rddreg [dreg:$0x5];
	s15 =	smov.u32 s26;
	s26 =	sadd.s32 $0x8, s26;
	v4 =	vld [tilespmem:s10+$0x16470]  }
0xab: {  	s24 =	rddreg [dreg:$0x6];
	v5 =	vld [tilespmem:s25+$0x16470];
	s25 =	simm.s32 $0x380;
	p0 =	slt.u32 s26, $0x78  }
0xac: {  	v6 =	vld [tilespmem:s22+$0x16470];
	s21 =	sadd.s32 $0x400, s21;
	s10 =	sadd.s32 s15, s14;
	s16 =	simm.s32 @!p0 $0x0  }
0xad: {  	s14 =	sadd.s32 $0x9, s10;
	s15 =	sadd.s32 $0xA, s10;
	s17 =	sadd.s32 $0xF, s10;
	[tilespmem:s8+$0xFFFFFD00] =	vst.add.f32.msk $0xffff, v1  }
0xae: {  	s22 =	sadd.s32 $0xB, s10;
	s23 =	sadd.s32 $0xC, s10;
	s18 =	sadd.s32 $0xE, s10;
	[tilespmem:s8+$0xFFFFFD80] =	vst.add.f32.msk $0xffff, v0  }
0xaf: {  	s16 =	simm.s32 @p0 $0x1;
	p0 =	slt.u32 s17, $0xC8;
	s17 =	sadd.s32 $0xD, s10;
	[tilespmem:s8+$0xFFFFFE00] =	vst.add.f32.msk $0xffff, v2  }
0xb0: {  	p6 =	slt.u32 s14, $0xC8;
	p3 =	slt.u32 s22, $0xC8;
	p4 =	slt.u32 s23, $0xC8;
	[tilespmem:s8+$0xFFFFFE80] =	vst.add.f32.msk $0xffff, v3  }
0xb1: {  	s10 =	sadd.s32 $0x8, s10;
	p5 =	slt.u32 s18, $0xC8;
	s22 =	sadd.s32 $0xFFFF9C00, s21;
	[tilespmem:s8+$0xFFFFFF00] =	vst.add.f32.msk $0xffff, v4  }
0xb2: {  	s18 =	simm.s32 $0x180;
	[smem:$0x7FC] =	sst s16;
	s25 =	simm.s32 @!p0 $0xFFFF9F80;
	[tilespmem:s8+$0xFFFFFF80] =	vst.add.f32.msk $0xffff, v5  }
0xb3: {  	s16 =	rddreg [dreg:$0x7];
	s18 =	simm.s32 @!p3 $0xFFFF9D80;
	s14 =	sadd.s32 s25, s21;
	[tilespmem:s8+$0xFFFFFC80] =	vst.add.f32.msk $0xffff, v6  }
0xb4: {  	p0 =	slt.u32 s15, $0xC8;
	s24 =	simm.s32 @!p4 $0xFFFF9E00;
	s23 =	sadd.s32 s18, s21;
	v0 =	vld [tilespmem:s14+$0x16400]  }
0xb5: {  	p2 =	slt.u32 s10, $0xC8;
	s10 =	simm.s32 $0x80;
	s24 =	sadd.s32 s24, s21;
	v3 =	vld [tilespmem:s23+$0x16400]  }
0xb6: {  	s15 =	simm.s32 $0x100;
	s10 =	simm.s32 @!p6 $0xFFFF9C80;
	s22 =	smov.u32 @p2 s21;
	v58 =	vld [tilespmem:s24+$0x16400]  }
0xb7: {  	p1 =	slt.u32 s17, $0xC8;
	s15 =	simm.s32 @!p0 $0xFFFF9D00;
	s17 =	sadd.s32 s10, s21;
	v7 =	vld [tilespmem:s22+$0x16400]  }
0xb8: {  	s16 =	simm.s32 @!p1 $0xFFFF9E80;
	s25 =	simm.s32 $0x300;
	s15 =	sadd.s32 s15, s21;
	v1 =	vld [tilespmem:s17+$0x16400]  }
0xb9: {  	s25 =	simm.s32 @!p5 $0xFFFF9F00;
	s10 =	sadd.s32 s16, s21;
	v2 =	vld [tilespmem:s15+$0x16400]  }
0xba: {  	s25 =	sadd.s32 s25, s21;
	v59 =	vld [tilespmem:s10+$0x16400]  }
0xbb: {  	s8 =	sadd.s32 $0x400, s8;
	v60 =	vld [tilespmem:s25+$0x16400]  }
0xbc: {  	[tilespmem:s8+$0xFFFFFF90] =	vst.add.f32.msk $0xffff, v0  }
0xbd: {  	[tilespmem:s8+$0xFFFFFD90] =	vst.add.f32.msk $0xffff, v3  }
0xbe: {  	[tilespmem:s8+$0xFFFFFE10] =	vst.add.f32.msk $0xffff, v58  }
0xbf: {  	[tilespmem:s8+$0xFFFFFC10] =	vst.add.f32.msk $0xffff, v7  }
0xc0: {  	v0 =	vld [tilespmem:s14+$0x16410]  }
0xc1: {  	[tilespmem:s8+$0xFFFFFC90] =	vst.add.f32.msk $0xffff, v1  }
0xc2: {  	[tilespmem:s8+$0xFFFFFD10] =	vst.add.f32.msk $0xffff, v2  }
0xc3: {  	[tilespmem:s8+$0xFFFFFE90] =	vst.add.f32.msk $0xffff, v59  }
0xc4: {  	v3 =	vld [tilespmem:s23+$0x16410]  }
0xc5: {  	v4 =	vld [tilespmem:s24+$0x16410]  }
0xc6: {  	v7 =	vld [tilespmem:s22+$0x16410]  }
0xc7: {  	[tilespmem:s8+$0xFFFFFF10] =	vst.add.f32.msk $0xffff, v60  }
0xc8: {  	v1 =	vld [tilespmem:s17+$0x16410]  }
0xc9: {  	v2 =	vld [tilespmem:s15+$0x16410]  }
0xca: {  	v5 =	vld [tilespmem:s10+$0x16410]  }
0xcb: {  	v6 =	vld [tilespmem:s25+$0x16410]  }
0xcc: {  	[tilespmem:s8+$0xFFFFFFA0] =	vst.add.f32.msk $0xffff, v0  }
0xcd: {  	[tilespmem:s8+$0xFFFFFDA0] =	vst.add.f32.msk $0xffff, v3  }
0xce: {  	[tilespmem:s8+$0xFFFFFE20] =	vst.add.f32.msk $0xffff, v4  }
0xcf: {  	[tilespmem:s8+$0xFFFFFC20] =	vst.add.f32.msk $0xffff, v7  }
0xd0: {  	v0 =	vld [tilespmem:s14+$0x16420]  }
0xd1: {  	[tilespmem:s8+$0xFFFFFCA0] =	vst.add.f32.msk $0xffff, v1  }
0xd2: {  	[tilespmem:s8+$0xFFFFFD20] =	vst.add.f32.msk $0xffff, v2  }
0xd3: {  	[tilespmem:s8+$0xFFFFFEA0] =	vst.add.f32.msk $0xffff, v5  }
0xd4: {  	v2 =	vld [tilespmem:s23+$0x16420]  }
0xd5: {  	v3 =	vld [tilespmem:s24+$0x16420]  }
0xd6: {  	v63 =	vld [tilespmem:s22+$0x16420]  }
0xd7: {  	[tilespmem:s8+$0xFFFFFF20] =	vst.add.f32.msk $0xffff, v6  }
0xd8: {  	v1 =	vld [tilespmem:s15+$0x16420]  }
0xd9: {  	v61 =	vld [tilespmem:s10+$0x16420]  }
0xda: {  	v62 =	vld [tilespmem:s25+$0x16420]  }
0xdb: {  	[tilespmem:s8+$0xFFFFFFB0] =	vst.add.f32.msk $0xffff, v0  }
0xdc: {  	[tilespmem:s8+$0xFFFFFDB0] =	vst.add.f32.msk $0xffff, v2  }
0xdd: {  	[tilespmem:s8+$0xFFFFFE30] =	vst.add.f32.msk $0xffff, v3  }
0xde: {  	[tilespmem:s8+$0xFFFFFC30] =	vst.add.f32.msk $0xffff, v63  }
0xdf: {  	v0 =	vld [tilespmem:s14+$0x16430]  }
0xe0: {  	[tilespmem:s8+$0xFFFFFD30] =	vst.add.f32.msk $0xffff, v1  }
0xe1: {  	[tilespmem:s8+$0xFFFFFEB0] =	vst.add.f32.msk $0xffff, v61  }
0xe2: {  	v2 =	vld [tilespmem:s23+$0x16430]  }
0xe3: {  	v3 =	vld [tilespmem:s24+$0x16430]  }
0xe4: {  	v6 =	vld [tilespmem:s22+$0x16430]  }
0xe5: {  	[tilespmem:s8+$0xFFFFFF30] =	vst.add.f32.msk $0xffff, v62  }
0xe6: {  	v1 =	vld [tilespmem:s15+$0x16430]  }
0xe7: {  	v4 =	vld [tilespmem:s10+$0x16430]  }
0xe8: {  	v5 =	vld [tilespmem:s25+$0x16430]  }
0xe9: {  	[tilespmem:s8+$0xFFFFFFC0] =	vst.add.f32.msk $0xffff, v0  }
0xea: {  	[tilespmem:s8+$0xFFFFFDC0] =	vst.add.f32.msk $0xffff, v2  }
0xeb: {  	[tilespmem:s8+$0xFFFFFE40] =	vst.add.f32.msk $0xffff, v3  }
0xec: {  	[tilespmem:s8+$0xFFFFFC40] =	vst.add.f32.msk $0xffff, v6  }
0xed: {  	v0 =	vld [tilespmem:s14+$0x16440]  }
0xee: {  	[tilespmem:s8+$0xFFFFFD40] =	vst.add.f32.msk $0xffff, v1  }
0xef: {  	[tilespmem:s8+$0xFFFFFEC0] =	vst.add.f32.msk $0xffff, v4  }
0xf0: {  	v2 =	vld [tilespmem:s23+$0x16440]  }
0xf1: {  	v3 =	vld [tilespmem:s24+$0x16440]  }
0xf2: {  	v6 =	vld [tilespmem:s22+$0x16440]  }
0xf3: {  	[tilespmem:s8+$0xFFFFFF40] =	vst.add.f32.msk $0xffff, v5  }
0xf4: {  	v1 =	vld [tilespmem:s15+$0x16440]  }
0xf5: {  	[tilespmem:s8+$0xFFFFFFD0] =	vst.add.f32.msk $0xffff, v0  }
0xf6: {  	v0 =	vld [tilespmem:s14+$0x16450]  }
0xf7: {  	v4 =	vld [tilespmem:s10+$0x16440]  }
0xf8: {  	v5 =	vld [tilespmem:s25+$0x16440]  }
0xf9: {  	[tilespmem:s8+$0xFFFFFDD0] =	vst.add.f32.msk $0xffff, v2  }
0xfa: {  	[tilespmem:s8+$0xFFFFFE50] =	vst.add.f32.msk $0xffff, v3  }
0xfb: {  	[tilespmem:s8+$0xFFFFFFE0] =	vst.add.f32.msk $0xffff, v0  }
0xfc: {  	v0 =	vld [tilespmem:s14+$0x16460]  }
0xfd: {  	[tilespmem:s8+$0xFFFFFC50] =	vst.add.f32.msk $0xffff, v6  }
0xfe: {  	[tilespmem:s8+$0xFFFFFD50] =	vst.add.f32.msk $0xffff, v1  }
0xff: {  	[tilespmem:s8+$0xFFFFFED0] =	vst.add.f32.msk $0xffff, v4  }
0x100: {  	v2 =	vld [tilespmem:s23+$0x16450]  }
0x101: {  	[tilespmem:s8+$0xFFFFFFF0] =	vst.add.f32.msk $0xffff, v0  }
0x102: {  	v0 =	vld [tilespmem:s14+$0x16470]  }
0x103: {  	v3 =	vld [tilespmem:s24+$0x16450]  }
0x104: {  	v6 =	vld [tilespmem:s22+$0x16450]  }
0x105: {  	[tilespmem:s8+$0xFFFFFF50] =	vst.add.f32.msk $0xffff, v5  }
0x106: {  	v1 =	vld [tilespmem:s15+$0x16450]  }
0x107: {  	[tilespmem:s8+$0x0] =	vst.add.f32.msk $0xffff, v0  }
0x108: {  	v0 =	vld [tilespmem:s17+$0x16420]  }
0x109: {  	v4 =	vld [tilespmem:s10+$0x16450]  }
0x10a: {  	v5 =	vld [tilespmem:s25+$0x16450]  }
0x10b: {  	[tilespmem:s8+$0xFFFFFDE0] =	vst.add.f32.msk $0xffff, v2  }
0x10c: {  	[tilespmem:s8+$0xFFFFFE60] =	vst.add.f32.msk $0xffff, v3  }
0x10d: {  	[tilespmem:s8+$0xFFFFFCB0] =	vst.add.f32.msk $0xffff, v0  }
0x10e: {  	v0 =	vld [tilespmem:s17+$0x16430]  }
0x10f: {  	[tilespmem:s8+$0xFFFFFC60] =	vst.add.f32.msk $0xffff, v6  }
0x110: {  	[tilespmem:s8+$0xFFFFFD60] =	vst.add.f32.msk $0xffff, v1  }
0x111: {  	[tilespmem:s8+$0xFFFFFEE0] =	vst.add.f32.msk $0xffff, v4  }
0x112: {  	v2 =	vld [tilespmem:s23+$0x16460]  }
0x113: {  	[tilespmem:s8+$0xFFFFFCC0] =	vst.add.f32.msk $0xffff, v0  }
0x114: {  	v0 =	vld [tilespmem:s17+$0x16440]  }
0x115: {  	v3 =	vld [tilespmem:s24+$0x16460]  }
0x116: {  	v6 =	vld [tilespmem:s22+$0x16460]  }
0x117: {  	[tilespmem:s8+$0xFFFFFF60] =	vst.add.f32.msk $0xffff, v5  }
0x118: {  	v1 =	vld [tilespmem:s15+$0x16460]  }
0x119: {  	[tilespmem:s8+$0xFFFFFCD0] =	vst.add.f32.msk $0xffff, v0  }
0x11a: {  	v0 =	vld [tilespmem:s17+$0x16450]  }
0x11b: {  	v4 =	vld [tilespmem:s10+$0x16460]  }
0x11c: {  	v5 =	vld [tilespmem:s25+$0x16460]  }
0x11d: {  	[tilespmem:s8+$0xFFFFFDF0] =	vst.add.f32.msk $0xffff, v2  }
0x11e: {  	[tilespmem:s8+$0xFFFFFE70] =	vst.add.f32.msk $0xffff, v3  }
0x11f: {  	s18 =	sld [smem:$0x7FC];
	[tilespmem:s8+$0xFFFFFCE0] =	vst.add.f32.msk $0xffff, v0  }
0x120: {  	v0 =	vld [tilespmem:s17+$0x16460]  }
0x121: {  	[tilespmem:s8+$0xFFFFFC70] =	vst.add.f32.msk $0xffff, v6  }
0x122: {  	p0 =	seq.s32 s18, $0x1;
	[tilespmem:s8+$0xFFFFFD70] =	vst.add.f32.msk $0xffff, v1  }
.Ltmp0:
0x123: {  	[tilespmem:s8+$0xFFFFFEF0] =	vst.add.f32.msk $0xffff, v4;
	(pc) =	sbr.rel @p0 .LBB2_3-.Ltmp0, $4  }
0x124: {  	[tilespmem:s8+$0xFFFFFF70] =	vst.add.f32.msk $0xffff, v5  }
0x125: {  	[tilespmem:s8+$0xFFFFFCF0] =	vst.add.f32.msk $0xffff, v0  }
0x126: {  	v0 =	vld [tilespmem:s15+$0x16470]  }
0x127: {  	v1 =	vld [tilespmem:s17+$0x16470]  }
0x128: {  	v2 =	vld [tilespmem:s23+$0x16470]  }
0x129: {  	v3 =	vld [tilespmem:s24+$0x16470]  }
0x12a: {  	v4 =	vld [tilespmem:s10+$0x16470]  }
0x12b: {  	v5 =	vld [tilespmem:s25+$0x16470]  }
0x12c: {  	v6 =	vld [tilespmem:s22+$0x16470]  }
0x12d: {  	[tilespmem:s8+$0xFFFFFD80] =	vst.add.f32.msk $0xffff, v0  }
0x12e: {  	[tilespmem:s8+$0xFFFFFD00] =	vst.add.f32.msk $0xffff, v1  }
0x12f: {  	[tilespmem:s8+$0xFFFFFE00] =	vst.add.f32.msk $0xffff, v2  }
0x130: {  	[tilespmem:s8+$0xFFFFFE80] =	vst.add.f32.msk $0xffff, v3  }
0x131: {  	[tilespmem:s8+$0xFFFFFF00] =	vst.add.f32.msk $0xffff, v4  }
0x132: {  	[tilespmem:s8+$0xFFFFFF80] =	vst.add.f32.msk $0xffff, v5  }
0x133: {  	s26 =	sadd.s32 s7, s6;
	[tilespmem:s8+$0xFFFFFC80] =	vst.add.f32.msk $0xffff, v6  }
0x134: {  	s10 =	sshll.u32 s26, $0x4;
	s16 =	sld [smem:$0x7FD]  }
0x135: {  	s14 =	sadd.s32 s4, s10  }
0x136: {  	[hbm4b:s14+s5] =	stream.linear.scatter [tilespmem:s5], [sflag:$0x5], $0x4000, $0x38;
	[tilespmem:$0x1C800] =	vst v63  }
0x137: {  	p0 =	seq.s32 s16, $0x1  }
0x138: {  	s15 =	sor.u32 $0x3, s12;
	s10 =	simm.s32 @!p0 $0x8  }
0x139: {  	s12 =	sshll.u32 s15, $0x7;
	_ =	swait.ge @!p0 [sflag:s10], $0x4000  }
0x13a: {  	s17 =	simm.s32 $0xC000;
	s8 =	sand.u32 $0x3FFFFF80, s12;
	[sflag:s10] =	ssyncset.done @!p0 $0x0  }
0x13b: {  	s15 =	simm.s32 $0x2;
	s8 =	sadd.s32 $0x10000, s8;
	[sflag:s10] =	ssyncadd.s32 @!p0 $0xFFFFC000  }
0x13c: {  	[tilespmem:s17], [sflag:$0x4] =	stream.indirect.gather [hbm4b:s2+s19], $0x80, s8, s19, $0xb8;
	[tilespmem:$0x1C800] =	vst v63  }
0x13d: {  	_ =	swait.ge [sflag:s15], $0x4000  }
0x13e: {  	s18 =	rddreg [dreg:$0x8]  }
0x13f: {  	s22 =	rddreg [dreg:$0x9]  }
0x140: {  	[sflag:s15] =	ssyncset.done $0x0;
	s19 =	sadd.s32 $0xFFFFFFF8, s18;
	s16 =	sadd.s32 s13, s22  }
0x141: {  	[sflag:s15] =	ssyncadd.s32 $0xFFFFC000;
	s15 =	simm.s32 $0xFFFFFC80;
	s14 =	sadd.s32 $0x8E, s19  }
0x142: {  	s23 =	sadd.s32 $0x88, s19;
	s17 =	sadd.s32 $0x89, s19;
	s18 =	sadd.s32 $0x8A, s19  }
0x143: {  	s21 =	sadd.s32 $0x8B, s19;
	s24 =	sadd.s32 $0x8C, s19;
	s25 =	sadd.s32 $0x8D, s19  }
0x144: {  	p0 =	slt.u32 s14, $0xC8;
	s14 =	simm.s32 $0xFFFFFF80;
	p1 =	slt.u32 s17, $0xC8  }
0x145: {  	p2 =	slt.u32 s18, $0xC8;
	p3 =	slt.u32 s21, $0xC8;
	s17 =	simm.s32 $0xFFFFFD00  }
0x146: {  	s18 =	simm.s32 $0xFFFFFD80;
	s21 =	simm.s32 $0xFFFFFE00;
	s14 =	simm.s32 @!p0 $0xFFFF9B80  }
0x147: {  	p0 =	slt.u32 s23, $0xC8;
	s17 =	simm.s32 @!p1 $0xFFFF9900;
	s14 =	sadd.s32 s14, s16  }
0x148: {  	s18 =	simm.s32 @!p2 $0xFFFF9980;
	s21 =	simm.s32 @!p3 $0xFFFF9A00;
	s17 =	sadd.s32 s17, s16;
	v0 =	vld [tilespmem:s14+$0x16400]  }
0x149: {  	p1 =	slt.u32 s25, $0xC8;
	s15 =	simm.s32 @!p0 $0xFFFF9880;
	s23 =	sadd.s32 s18, s16;
	v2 =	vld [tilespmem:s17+$0x16400]  }
0x14a: {  	s22 =	sadd.s32 s21, s16;
	p0 =	slt.u32 s24, $0xC8;
	s18 =	simm.s32 $0xFFFFFE80;
	v3 =	vld [tilespmem:s23+$0x16400]  }
0x14b: {  	s24 =	simm.s32 $0xFFFFFF00;
	s15 =	sadd.s32 s15, s16;
	v58 =	vld [tilespmem:s22+$0x16400];
	s18 =	simm.s32 @!p0 $0xFFFF9A80  }
0x14c: {  	s26 =	sadd.s32 $0x8F, s19;
	s24 =	simm.s32 @!p1 $0xFFFF9B00;
	v1 =	vld [tilespmem:s15+$0x16400];
	s10 =	sadd.s32 s18, s16  }
0x14d: {  	s21 =	sadd.s32 $0xFFFF9C00, s16;
	p0 =	slt.u32 s26, $0xC8;
	s24 =	sadd.s32 s24, s16;
	v59 =	vld [tilespmem:s10+$0x16400]  }
0x14e: {  	s21 =	smov.u32 @p0 s16;
	v60 =	vld [tilespmem:s24+$0x16400]  }
0x14f: {  	s8 =	simm.s32 $0x43F0;
	v7 =	vld [tilespmem:s21+$0x16400]  }
0x150: {  	[tilespmem:s8+$0xFFFFFF10] =	vst.add.f32.msk $0xffff, v0  }
0x151: {  	[tilespmem:s8+$0xFFFFFC90] =	vst.add.f32.msk $0xffff, v2  }
0x152: {  	[tilespmem:s8+$0xFFFFFD10] =	vst.add.f32.msk $0xffff, v3  }
0x153: {  	[tilespmem:s8+$0xFFFFFD90] =	vst.add.f32.msk $0xffff, v58  }
0x154: {  	v0 =	vld [tilespmem:s14+$0x16410]  }
0x155: {  	[tilespmem:s8+$0xFFFFFC10] =	vst.add.f32.msk $0xffff, v1  }
0x156: {  	v2 =	vld [tilespmem:s17+$0x16410]  }
0x157: {  	v3 =	vld [tilespmem:s23+$0x16410]  }
0x158: {  	v4 =	vld [tilespmem:s22+$0x16410]  }
0x159: {  	[tilespmem:s8+$0xFFFFFE10] =	vst.add.f32.msk $0xffff, v59  }
0x15a: {  	[tilespmem:s8+$0xFFFFFE90] =	vst.add.f32.msk $0xffff, v60  }
0x15b: {  	[tilespmem:s8+$0xFFFFFF90] =	vst.add.f32.msk $0xffff, v7  }
0x15c: {  	v1 =	vld [tilespmem:s15+$0x16410]  }
0x15d: {  	v5 =	vld [tilespmem:s10+$0x16410]  }
0x15e: {  	v6 =	vld [tilespmem:s24+$0x16410]  }
0x15f: {  	v7 =	vld [tilespmem:s21+$0x16410]  }
0x160: {  	[tilespmem:s8+$0xFFFFFF20] =	vst.add.f32.msk $0xffff, v0  }
0x161: {  	[tilespmem:s8+$0xFFFFFCA0] =	vst.add.f32.msk $0xffff, v2  }
0x162: {  	[tilespmem:s8+$0xFFFFFD20] =	vst.add.f32.msk $0xffff, v3  }
0x163: {  	[tilespmem:s8+$0xFFFFFDA0] =	vst.add.f32.msk $0xffff, v4  }
0x164: {  	v0 =	vld [tilespmem:s14+$0x16420]  }
0x165: {  	[tilespmem:s8+$0xFFFFFC20] =	vst.add.f32.msk $0xffff, v1  }
0x166: {  	v1 =	vld [tilespmem:s17+$0x16420]  }
0x167: {  	v2 =	vld [tilespmem:s23+$0x16420]  }
0x168: {  	v3 =	vld [tilespmem:s22+$0x16420]  }
0x169: {  	[tilespmem:s8+$0xFFFFFE20] =	vst.add.f32.msk $0xffff, v5  }
0x16a: {  	[tilespmem:s8+$0xFFFFFEA0] =	vst.add.f32.msk $0xffff, v6  }
0x16b: {  	[tilespmem:s8+$0xFFFFFFA0] =	vst.add.f32.msk $0xffff, v7  }
0x16c: {  	v61 =	vld [tilespmem:s10+$0x16420]  }
0x16d: {  	v62 =	vld [tilespmem:s24+$0x16420]  }
0x16e: {  	v63 =	vld [tilespmem:s21+$0x16420]  }
0x16f: {  	[tilespmem:s8+$0xFFFFFF30] =	vst.add.f32.msk $0xffff, v0  }
0x170: {  	[tilespmem:s8+$0xFFFFFCB0] =	vst.add.f32.msk $0xffff, v1  }
0x171: {  	[tilespmem:s8+$0xFFFFFD30] =	vst.add.f32.msk $0xffff, v2  }
0x172: {  	[tilespmem:s8+$0xFFFFFDB0] =	vst.add.f32.msk $0xffff, v3  }
0x173: {  	v0 =	vld [tilespmem:s14+$0x16430]  }
0x174: {  	v1 =	vld [tilespmem:s17+$0x16430]  }
0x175: {  	v2 =	vld [tilespmem:s23+$0x16430]  }
0x176: {  	v3 =	vld [tilespmem:s22+$0x16430]  }
0x177: {  	[tilespmem:s8+$0xFFFFFE30] =	vst.add.f32.msk $0xffff, v61  }
0x178: {  	[tilespmem:s8+$0xFFFFFEB0] =	vst.add.f32.msk $0xffff, v62  }
0x179: {  	[tilespmem:s8+$0xFFFFFFB0] =	vst.add.f32.msk $0xffff, v63  }
0x17a: {  	v4 =	vld [tilespmem:s10+$0x16430]  }
0x17b: {  	v5 =	vld [tilespmem:s24+$0x16430]  }
0x17c: {  	v6 =	vld [tilespmem:s21+$0x16430]  }
0x17d: {  	[tilespmem:s8+$0xFFFFFF40] =	vst.add.f32.msk $0xffff, v0  }
0x17e: {  	[tilespmem:s8+$0xFFFFFCC0] =	vst.add.f32.msk $0xffff, v1  }
0x17f: {  	[tilespmem:s8+$0xFFFFFD40] =	vst.add.f32.msk $0xffff, v2  }
0x180: {  	[tilespmem:s8+$0xFFFFFDC0] =	vst.add.f32.msk $0xffff, v3  }
0x181: {  	v0 =	vld [tilespmem:s14+$0x16440]  }
0x182: {  	v1 =	vld [tilespmem:s17+$0x16440]  }
0x183: {  	v2 =	vld [tilespmem:s23+$0x16440]  }
0x184: {  	v3 =	vld [tilespmem:s22+$0x16440]  }
0x185: {  	[tilespmem:s8+$0xFFFFFE40] =	vst.add.f32.msk $0xffff, v4  }
0x186: {  	[tilespmem:s8+$0xFFFFFEC0] =	vst.add.f32.msk $0xffff, v5  }
0x187: {  	[tilespmem:s8+$0xFFFFFFC0] =	vst.add.f32.msk $0xffff, v6  }
0x188: {  	v4 =	vld [tilespmem:s10+$0x16440]  }
0x189: {  	[tilespmem:s8+$0xFFFFFF50] =	vst.add.f32.msk $0xffff, v0  }
0x18a: {  	v0 =	vld [tilespmem:s14+$0x16450]  }
0x18b: {  	v5 =	vld [tilespmem:s24+$0x16440]  }
0x18c: {  	v6 =	vld [tilespmem:s21+$0x16440]  }
0x18d: {  	[tilespmem:s8+$0xFFFFFCD0] =	vst.add.f32.msk $0xffff, v1  }
0x18e: {  	[tilespmem:s8+$0xFFFFFD50] =	vst.add.f32.msk $0xffff, v2  }
0x18f: {  	[tilespmem:s8+$0xFFFFFF60] =	vst.add.f32.msk $0xffff, v0  }
0x190: {  	v0 =	vld [tilespmem:s14+$0x16460]  }
0x191: {  	[tilespmem:s8+$0xFFFFFDD0] =	vst.add.f32.msk $0xffff, v3  }
0x192: {  	v1 =	vld [tilespmem:s17+$0x16450]  }
0x193: {  	v2 =	vld [tilespmem:s23+$0x16450]  }
0x194: {  	v3 =	vld [tilespmem:s22+$0x16450]  }
0x195: {  	[tilespmem:s8+$0xFFFFFF70] =	vst.add.f32.msk $0xffff, v0  }
0x196: {  	v0 =	vld [tilespmem:s14+$0x16470]  }
0x197: {  	[tilespmem:s8+$0xFFFFFE50] =	vst.add.f32.msk $0xffff, v4  }
0x198: {  	[tilespmem:s8+$0xFFFFFED0] =	vst.add.f32.msk $0xffff, v5  }
0x199: {  	[tilespmem:s8+$0xFFFFFFD0] =	vst.add.f32.msk $0xffff, v6  }
0x19a: {  	v4 =	vld [tilespmem:s10+$0x16450]  }
0x19b: {  	[tilespmem:s8+$0xFFFFFF80] =	vst.add.f32.msk $0xffff, v0  }
0x19c: {  	v0 =	vld [tilespmem:s15+$0x16420]  }
0x19d: {  	v5 =	vld [tilespmem:s24+$0x16450]  }
0x19e: {  	v6 =	vld [tilespmem:s21+$0x16450]  }
0x19f: {  	[tilespmem:s8+$0xFFFFFCE0] =	vst.add.f32.msk $0xffff, v1  }
0x1a0: {  	[tilespmem:s8+$0xFFFFFD60] =	vst.add.f32.msk $0xffff, v2  }
0x1a1: {  	[tilespmem:s8+$0xFFFFFC30] =	vst.add.f32.msk $0xffff, v0  }
0x1a2: {  	v0 =	vld [tilespmem:s15+$0x16430]  }
0x1a3: {  	[tilespmem:s8+$0xFFFFFDE0] =	vst.add.f32.msk $0xffff, v3  }
0x1a4: {  	v1 =	vld [tilespmem:s17+$0x16460]  }
0x1a5: {  	v2 =	vld [tilespmem:s23+$0x16460]  }
0x1a6: {  	v3 =	vld [tilespmem:s22+$0x16460]  }
0x1a7: {  	[tilespmem:s8+$0xFFFFFC40] =	vst.add.f32.msk $0xffff, v0  }
0x1a8: {  	v0 =	vld [tilespmem:s15+$0x16440]  }
0x1a9: {  	[tilespmem:s8+$0xFFFFFE60] =	vst.add.f32.msk $0xffff, v4  }
0x1aa: {  	[tilespmem:s8+$0xFFFFFEE0] =	vst.add.f32.msk $0xffff, v5  }
0x1ab: {  	[tilespmem:s8+$0xFFFFFFE0] =	vst.add.f32.msk $0xffff, v6  }
0x1ac: {  	v4 =	vld [tilespmem:s10+$0x16460]  }
0x1ad: {  	[tilespmem:s8+$0xFFFFFC50] =	vst.add.f32.msk $0xffff, v0  }
0x1ae: {  	v0 =	vld [tilespmem:s15+$0x16450]  }
0x1af: {  	v5 =	vld [tilespmem:s24+$0x16460]  }
0x1b0: {  	v6 =	vld [tilespmem:s21+$0x16460]  }
0x1b1: {  	[tilespmem:s8+$0xFFFFFCF0] =	vst.add.f32.msk $0xffff, v1  }
0x1b2: {  	[tilespmem:s8+$0xFFFFFD70] =	vst.add.f32.msk $0xffff, v2  }
0x1b3: {  	[tilespmem:s8+$0xFFFFFC60] =	vst.add.f32.msk $0xffff, v0  }
0x1b4: {  	v0 =	vld [tilespmem:s15+$0x16460]  }
0x1b5: {  	[tilespmem:s8+$0xFFFFFDF0] =	vst.add.f32.msk $0xffff, v3  }
0x1b6: {  	[tilespmem:s8+$0xFFFFFE70] =	vst.add.f32.msk $0xffff, v4  }
0x1b7: {  	[tilespmem:s8+$0xFFFFFEF0] =	vst.add.f32.msk $0xffff, v5  }
0x1b8: {  	[tilespmem:s8+$0xFFFFFFF0] =	vst.add.f32.msk $0xffff, v6  }
0x1b9: {  	[tilespmem:s8+$0xFFFFFC70] =	vst.add.f32.msk $0xffff, v0  }
0x1ba: {  	v0 =	vld [tilespmem:s17+$0x16470]  }
0x1bb: {  	s6 =	sor.u32 $0x80, s6;
	s25 =	simm.s32 $0x0;
	s26 =	smov.u32 s13;
	v1 =	vld [tilespmem:s15+$0x16470]  }
.LBB2_5:
0x1bc: {  	v2 =	vld [tilespmem:s23+$0x16470]  }
0x1bd: {  	v3 =	vld [tilespmem:s22+$0x16470]  }
0x1be: {  	s14 =	rddreg [dreg:$0x8];
	v4 =	vld [tilespmem:s10+$0x16470]  }
0x1bf: {  	s15 =	smov.u32 s25;
	s19 =	rddreg [dreg:$0x9];
	v5 =	vld [tilespmem:s24+$0x16470];
	s26 =	sadd.s32 $0x400, s26  }
0x1c0: {  	v6 =	vld [tilespmem:s21+$0x16470];
	s10 =	sadd.s32 s15, s14;
	s19 =	sadd.s32 s26, s19  }
0x1c1: {  	s14 =	simm.s32 $0xFFFFFF80;
	s15 =	sadd.s32 $0x88, s10;
	s16 =	sadd.s32 $0x89, s10;
	[tilespmem:s8+$0xFFFFFC80] =	vst.add.f32.msk $0xffff, v1  }
0x1c2: {  	s17 =	sadd.s32 $0x8E, s10;
	s18 =	sadd.s32 $0x8A, s10;
	s22 =	sadd.s32 $0x8B, s10;
	[tilespmem:s8+$0xFFFFFD00] =	vst.add.f32.msk $0xffff, v0  }
0x1c3: {  	s23 =	sadd.s32 $0x8C, s10;
	s24 =	sadd.s32 $0x8D, s10;
	s10 =	sadd.s32 $0x8F, s10;
	[tilespmem:s8+$0xFFFFFD80] =	vst.add.f32.msk $0xffff, v2  }
0x1c4: {  	s21 =	sadd.s32 $0xFFFF9C00, s19;
	p1 =	slt.u32 s17, $0xC8;
	p5 =	slt.u32 s15, $0xC8;
	[tilespmem:s8+$0xFFFFFE00] =	vst.add.f32.msk $0xffff, v3  }
0x1c5: {  	p6 =	slt.u32 s16, $0xC8;
	p4 =	slt.u32 s22, $0xC8;
	p2 =	slt.u32 s24, $0xC8;
	[tilespmem:s8+$0xFFFFFE80] =	vst.add.f32.msk $0xffff, v4  }
0x1c6: {  	s15 =	simm.s32 $0xFFFFFC80;
	s16 =	simm.s32 $0xFFFFFD00;
	s14 =	simm.s32 @!p1 $0xFFFF9B80;
	[tilespmem:s8+$0xFFFFFF00] =	vst.add.f32.msk $0xffff, v5  }
0x1c7: {  	s22 =	simm.s32 $0xFFFFFE00;
	s15 =	simm.s32 @!p5 $0xFFFF9880;
	s14 =	sadd.s32 s14, s19;
	[tilespmem:s8+$0x0] =	vst.add.f32.msk $0xffff, v6  }
0x1c8: {  	s24 =	simm.s32 $0xFFFFFF00;
	s16 =	simm.s32 @!p6 $0xFFFF9900;
	s15 =	sadd.s32 s15, s19;
	v0 =	vld [tilespmem:s14+$0x16400]  }
0x1c9: {  	p1 =	slt.u32 s18, $0xC8;
	s22 =	simm.s32 @!p4 $0xFFFF9A00;
	s16 =	sadd.s32 s16, s19;
	v1 =	vld [tilespmem:s15+$0x16400]  }
0x1ca: {  	s18 =	simm.s32 $0xFFFFFD80;
	s24 =	simm.s32 @!p2 $0xFFFF9B00;
	s22 =	sadd.s32 s22, s19;
	v2 =	vld [tilespmem:s16+$0x16400]  }
0x1cb: {  	p3 =	slt.u32 s23, $0xC8;
	s18 =	simm.s32 @!p1 $0xFFFF9980;
	s24 =	sadd.s32 s24, s19;
	v58 =	vld [tilespmem:s22+$0x16400]  }
0x1cc: {  	p1 =	slt.u32 s10, $0xC8;
	s10 =	simm.s32 $0xFFFFFE80;
	s23 =	sadd.s32 s18, s19;
	v60 =	vld [tilespmem:s24+$0x16400]  }
0x1cd: {  	s10 =	simm.s32 @!p3 $0xFFFF9A80;
	s21 =	smov.u32 @p1 s19;
	v3 =	vld [tilespmem:s23+$0x16400]  }
0x1ce: {  	s10 =	sadd.s32 s10, s19;
	v7 =	vld [tilespmem:s21+$0x16400]  }
0x1cf: {  	s8 =	sadd.s32 $0x400, s8;
	v59 =	vld [tilespmem:s10+$0x16400]  }
0x1d0: {  	[tilespmem:s8+$0xFFFFFF10] =	vst.add.f32.msk $0xffff, v0  }
0x1d1: {  	[tilespmem:s8+$0xFFFFFC10] =	vst.add.f32.msk $0xffff, v1  }
0x1d2: {  	[tilespmem:s8+$0xFFFFFC90] =	vst.add.f32.msk $0xffff, v2  }
0x1d3: {  	[tilespmem:s8+$0xFFFFFD90] =	vst.add.f32.msk $0xffff, v58  }
0x1d4: {  	[tilespmem:s8+$0xFFFFFE90] =	vst.add.f32.msk $0xffff, v60  }
0x1d5: {  	v0 =	vld [tilespmem:s14+$0x16410]  }
0x1d6: {  	[tilespmem:s8+$0xFFFFFD10] =	vst.add.f32.msk $0xffff, v3  }
0x1d7: {  	[tilespmem:s8+$0xFFFFFF90] =	vst.add.f32.msk $0xffff, v7  }
0x1d8: {  	v1 =	vld [tilespmem:s15+$0x16410]  }
0x1d9: {  	v2 =	vld [tilespmem:s16+$0x16410]  }
0x1da: {  	v4 =	vld [tilespmem:s22+$0x16410]  }
0x1db: {  	v6 =	vld [tilespmem:s24+$0x16410]  }
0x1dc: {  	[tilespmem:s8+$0xFFFFFE10] =	vst.add.f32.msk $0xffff, v59  }
0x1dd: {  	v3 =	vld [tilespmem:s23+$0x16410]  }
0x1de: {  	v7 =	vld [tilespmem:s21+$0x16410]  }
0x1df: {  	v5 =	vld [tilespmem:s10+$0x16410]  }
0x1e0: {  	[tilespmem:s8+$0xFFFFFF20] =	vst.add.f32.msk $0xffff, v0  }
0x1e1: {  	[tilespmem:s8+$0xFFFFFC20] =	vst.add.f32.msk $0xffff, v1  }
0x1e2: {  	[tilespmem:s8+$0xFFFFFCA0] =	vst.add.f32.msk $0xffff, v2  }
0x1e3: {  	[tilespmem:s8+$0xFFFFFDA0] =	vst.add.f32.msk $0xffff, v4  }
0x1e4: {  	[tilespmem:s8+$0xFFFFFEA0] =	vst.add.f32.msk $0xffff, v6  }
0x1e5: {  	v0 =	vld [tilespmem:s14+$0x16420]  }
0x1e6: {  	[tilespmem:s8+$0xFFFFFD20] =	vst.add.f32.msk $0xffff, v3  }
0x1e7: {  	[tilespmem:s8+$0xFFFFFFA0] =	vst.add.f32.msk $0xffff, v7  }
0x1e8: {  	v1 =	vld [tilespmem:s16+$0x16420]  }
0x1e9: {  	v3 =	vld [tilespmem:s22+$0x16420]  }
0x1ea: {  	v62 =	vld [tilespmem:s24+$0x16420]  }
0x1eb: {  	[tilespmem:s8+$0xFFFFFE20] =	vst.add.f32.msk $0xffff, v5  }
0x1ec: {  	v2 =	vld [tilespmem:s23+$0x16420]  }
0x1ed: {  	v63 =	vld [tilespmem:s21+$0x16420]  }
0x1ee: {  	v61 =	vld [tilespmem:s10+$0x16420]  }
0x1ef: {  	[tilespmem:s8+$0xFFFFFF30] =	vst.add.f32.msk $0xffff, v0  }
0x1f0: {  	[tilespmem:s8+$0xFFFFFCB0] =	vst.add.f32.msk $0xffff, v1  }
0x1f1: {  	[tilespmem:s8+$0xFFFFFDB0] =	vst.add.f32.msk $0xffff, v3  }
0x1f2: {  	[tilespmem:s8+$0xFFFFFEB0] =	vst.add.f32.msk $0xffff, v62  }
0x1f3: {  	v0 =	vld [tilespmem:s14+$0x16430]  }
0x1f4: {  	[tilespmem:s8+$0xFFFFFD30] =	vst.add.f32.msk $0xffff, v2  }
0x1f5: {  	[tilespmem:s8+$0xFFFFFFB0] =	vst.add.f32.msk $0xffff, v63  }
0x1f6: {  	v1 =	vld [tilespmem:s16+$0x16430]  }
0x1f7: {  	v3 =	vld [tilespmem:s22+$0x16430]  }
0x1f8: {  	v5 =	vld [tilespmem:s24+$0x16430]  }
0x1f9: {  	[tilespmem:s8+$0xFFFFFE30] =	vst.add.f32.msk $0xffff, v61  }
0x1fa: {  	v2 =	vld [tilespmem:s23+$0x16430]  }
0x1fb: {  	v6 =	vld [tilespmem:s21+$0x16430]  }
0x1fc: {  	v4 =	vld [tilespmem:s10+$0x16430]  }
0x1fd: {  	[tilespmem:s8+$0xFFFFFF40] =	vst.add.f32.msk $0xffff, v0  }
0x1fe: {  	[tilespmem:s8+$0xFFFFFCC0] =	vst.add.f32.msk $0xffff, v1  }
0x1ff: {  	[tilespmem:s8+$0xFFFFFDC0] =	vst.add.f32.msk $0xffff, v3  }
0x200: {  	[tilespmem:s8+$0xFFFFFEC0] =	vst.add.f32.msk $0xffff, v5  }
0x201: {  	v0 =	vld [tilespmem:s14+$0x16440]  }
0x202: {  	[tilespmem:s8+$0xFFFFFD40] =	vst.add.f32.msk $0xffff, v2  }
0x203: {  	[tilespmem:s8+$0xFFFFFFC0] =	vst.add.f32.msk $0xffff, v6  }
0x204: {  	v1 =	vld [tilespmem:s16+$0x16440]  }
0x205: {  	v3 =	vld [tilespmem:s22+$0x16440]  }
0x206: {  	v5 =	vld [tilespmem:s24+$0x16440]  }
0x207: {  	[tilespmem:s8+$0xFFFFFE40] =	vst.add.f32.msk $0xffff, v4  }
0x208: {  	v2 =	vld [tilespmem:s23+$0x16440]  }
0x209: {  	[tilespmem:s8+$0xFFFFFF50] =	vst.add.f32.msk $0xffff, v0  }
0x20a: {  	v0 =	vld [tilespmem:s14+$0x16450]  }
0x20b: {  	v6 =	vld [tilespmem:s21+$0x16440]  }
0x20c: {  	v4 =	vld [tilespmem:s10+$0x16440]  }
0x20d: {  	[tilespmem:s8+$0xFFFFFCD0] =	vst.add.f32.msk $0xffff, v1  }
0x20e: {  	[tilespmem:s8+$0xFFFFFDD0] =	vst.add.f32.msk $0xffff, v3  }
0x20f: {  	[tilespmem:s8+$0xFFFFFF60] =	vst.add.f32.msk $0xffff, v0  }
0x210: {  	v0 =	vld [tilespmem:s14+$0x16460]  }
0x211: {  	[tilespmem:s8+$0xFFFFFED0] =	vst.add.f32.msk $0xffff, v5  }
0x212: {  	[tilespmem:s8+$0xFFFFFD50] =	vst.add.f32.msk $0xffff, v2  }
0x213: {  	[tilespmem:s8+$0xFFFFFFD0] =	vst.add.f32.msk $0xffff, v6  }
0x214: {  	v1 =	vld [tilespmem:s16+$0x16450]  }
0x215: {  	[tilespmem:s8+$0xFFFFFF70] =	vst.add.f32.msk $0xffff, v0  }
0x216: {  	v0 =	vld [tilespmem:s14+$0x16470]  }
0x217: {  	v3 =	vld [tilespmem:s22+$0x16450]  }
0x218: {  	v5 =	vld [tilespmem:s24+$0x16450]  }
0x219: {  	[tilespmem:s8+$0xFFFFFE50] =	vst.add.f32.msk $0xffff, v4  }
0x21a: {  	v2 =	vld [tilespmem:s23+$0x16450]  }
0x21b: {  	[tilespmem:s8+$0xFFFFFF80] =	vst.add.f32.msk $0xffff, v0  }
0x21c: {  	v0 =	vld [tilespmem:s15+$0x16420]  }
0x21d: {  	v6 =	vld [tilespmem:s21+$0x16450]  }
0x21e: {  	v4 =	vld [tilespmem:s10+$0x16450]  }
0x21f: {  	[tilespmem:s8+$0xFFFFFCE0] =	vst.add.f32.msk $0xffff, v1  }
0x220: {  	[tilespmem:s8+$0xFFFFFDE0] =	vst.add.f32.msk $0xffff, v3  }
0x221: {  	[tilespmem:s8+$0xFFFFFC30] =	vst.add.f32.msk $0xffff, v0  }
0x222: {  	v0 =	vld [tilespmem:s15+$0x16430]  }
0x223: {  	[tilespmem:s8+$0xFFFFFEE0] =	vst.add.f32.msk $0xffff, v5  }
0x224: {  	[tilespmem:s8+$0xFFFFFD60] =	vst.add.f32.msk $0xffff, v2  }
0x225: {  	[tilespmem:s8+$0xFFFFFFE0] =	vst.add.f32.msk $0xffff, v6  }
0x226: {  	v1 =	vld [tilespmem:s16+$0x16460]  }
0x227: {  	[tilespmem:s8+$0xFFFFFC40] =	vst.add.f32.msk $0xffff, v0  }
0x228: {  	v0 =	vld [tilespmem:s15+$0x16440]  }
0x229: {  	v3 =	vld [tilespmem:s22+$0x16460]  }
0x22a: {  	v5 =	vld [tilespmem:s24+$0x16460]  }
0x22b: {  	[tilespmem:s8+$0xFFFFFE60] =	vst.add.f32.msk $0xffff, v4  }
0x22c: {  	v2 =	vld [tilespmem:s23+$0x16460]  }
0x22d: {  	[tilespmem:s8+$0xFFFFFC50] =	vst.add.f32.msk $0xffff, v0  }
0x22e: {  	v0 =	vld [tilespmem:s15+$0x16450]  }
0x22f: {  	v6 =	vld [tilespmem:s21+$0x16460]  }
0x230: {  	v4 =	vld [tilespmem:s10+$0x16460]  }
0x231: {  	[tilespmem:s8+$0xFFFFFCF0] =	vst.add.f32.msk $0xffff, v1  }
0x232: {  	[tilespmem:s8+$0xFFFFFDF0] =	vst.add.f32.msk $0xffff, v3  }
0x233: {  	[tilespmem:s8+$0xFFFFFC60] =	vst.add.f32.msk $0xffff, v0  }
0x234: {  	v0 =	vld [tilespmem:s15+$0x16460]  }
0x235: {  	s25 =	sadd.s32 $0x8, s25;
	[tilespmem:s8+$0xFFFFFEF0] =	vst.add.f32.msk $0xffff, v5  }
0x236: {  	p0 =	slt.u32 s25, $0x78;
	[tilespmem:s8+$0xFFFFFD70] =	vst.add.f32.msk $0xffff, v2  }
.Ltmp1:
0x237: {  	[tilespmem:s8+$0xFFFFFFF0] =	vst.add.f32.msk $0xffff, v6;
	(pc) =	sbr.rel @p0 .LBB2_5-.Ltmp1, $4  }
0x238: {  	[tilespmem:s8+$0xFFFFFE70] =	vst.add.f32.msk $0xffff, v4  }
0x239: {  	[tilespmem:s8+$0xFFFFFC70] =	vst.add.f32.msk $0xffff, v0  }
0x23a: {  	v0 =	vld [tilespmem:s16+$0x16470]  }
0x23b: {  	v1 =	vld [tilespmem:s15+$0x16470]  }
0x23c: {  	v2 =	vld [tilespmem:s23+$0x16470]  }
0x23d: {  	v3 =	vld [tilespmem:s22+$0x16470]  }
0x23e: {  	v4 =	vld [tilespmem:s10+$0x16470]  }
0x23f: {  	v5 =	vld [tilespmem:s24+$0x16470]  }
0x240: {  	v6 =	vld [tilespmem:s21+$0x16470]  }
0x241: {  	[tilespmem:s8+$0xFFFFFD00] =	vst.add.f32.msk $0xffff, v0  }
0x242: {  	[tilespmem:s8+$0xFFFFFC80] =	vst.add.f32.msk $0xffff, v1  }
0x243: {  	[tilespmem:s8+$0xFFFFFD80] =	vst.add.f32.msk $0xffff, v2  }
0x244: {  	[tilespmem:s8+$0xFFFFFE00] =	vst.add.f32.msk $0xffff, v3  }
0x245: {  	s6 =	sadd.s32 s7, s6;
	[tilespmem:s8+$0xFFFFFE80] =	vst.add.f32.msk $0xffff, v4  }
0x246: {  	s6 =	sshll.u32 s6, $0x4;
	[tilespmem:s8+$0xFFFFFF00] =	vst.add.f32.msk $0xffff, v5  }
0x247: {  	s23 =	simm.s32 $0x4000;
	p0 =	seq.s32 s11, $0x31;
	s6 =	sadd.s32 s4, s6;
	[tilespmem:s8+$0x0] =	vst.add.f32.msk $0xffff, v6  }
0x248: {  	[hbm4b:s6+s5] =	stream.linear.scatter [tilespmem:s23], [sflag:$0x6], $0x4000, $0x38;
	[tilespmem:$0x1C800] =	vst v63  }
0x249: {  	s6 =	simm.s32 @!p0 $0x5  }
0x24a: {  	s24 =	simm.s32 $0x3;
	s10 =	simm.s32 @!p0 $0x80;
	_ =	swait.ge @!p0 [sflag:s6], $0x4000  }
0x24b: {  	s15 =	simm.s32 @!p0 $0x0;
	s8 =	sshll.u32 @!p0 s11, $0x9;
	[sflag:s6] =	ssyncset.done @!p0 $0x0  }
0x24c: {  	s15 =	simm.s32 @p0 $0x1;
	[sflag:s6] =	ssyncadd.s32 @!p0 $0xFFFFC000;
	s6 =	sand.u32 @!p0 $0x3FFFFE00, s8  }
0x24d: {  	s14 =	simm.s32 @!p0 $0x0;
	[smem:$0x7FB] =	sst s15;
	s8 =	sadd.s32 @!p0 $0x10200, s6  }
0x24e: {  	[tilespmem:s14], [sflag:$0x1] =	stream.indirect.gather @!p0 [hbm4b:s2+s10], $0x80, s8, s10, $0xb8;
	[tilespmem:$0x1C800] =	vst v63  }
0x24f: {  	_ =	swait.ge [sflag:s24], $0x4000  }
0x250: {  	s15 =	simm.s32 $0xFFFFFC80;
	s25 =	rddreg [dreg:$0xa]  }
0x251: {  	s14 =	simm.s32 $0xFFFFFF80;
	s21 =	rddreg [dreg:$0xb];
	[sflag:s24] =	ssyncset.done $0x0  }
0x252: {  	s26 =	sadd.s32 $0xFFFFFFF8, s25;
	s16 =	sadd.s32 s28, s21;
	[sflag:s24] =	ssyncadd.s32 $0xFFFFC000  }
0x253: {  	s22 =	sadd.s32 $0x10E, s26;
	s23 =	sadd.s32 $0x108, s26;
	s17 =	sadd.s32 $0x109, s26  }
0x254: {  	s18 =	sadd.s32 $0x10A, s26;
	s19 =	sadd.s32 $0x10B, s26;
	s24 =	sadd.s32 $0x10C, s26  }
0x255: {  	s25 =	sadd.s32 $0x10D, s26;
	p1 =	slt.u32 s22, $0xC8;
	p2 =	slt.u32 s17, $0xC8  }
0x256: {  	p3 =	slt.u32 s18, $0xC8;
	p4 =	slt.u32 s19, $0xC8;
	s17 =	simm.s32 $0xFFFFFD00  }
0x257: {  	s18 =	simm.s32 $0xFFFFFD80;
	s19 =	simm.s32 $0xFFFFFE00;
	s14 =	simm.s32 @!p1 $0xFFFF9B80  }
0x258: {  	p1 =	slt.u32 s23, $0xC8;
	s17 =	simm.s32 @!p2 $0xFFFF9900;
	s14 =	sadd.s32 s14, s16  }
0x259: {  	s18 =	simm.s32 @!p3 $0xFFFF9980;
	s19 =	simm.s32 @!p4 $0xFFFF9A00;
	s17 =	sadd.s32 s17, s16;
	v0 =	vld [tilespmem:s14+$0x16400]  }
0x25a: {  	p2 =	slt.u32 s25, $0xC8;
	s15 =	simm.s32 @!p1 $0xFFFF9880;
	s23 =	sadd.s32 s18, s16;
	v2 =	vld [tilespmem:s17+$0x16400]  }
0x25b: {  	s22 =	sadd.s32 s19, s16;
	p1 =	slt.u32 s24, $0xC8;
	s18 =	simm.s32 $0xFFFFFE80;
	v3 =	vld [tilespmem:s23+$0x16400]  }
0x25c: {  	s19 =	simm.s32 $0xFFFFFF00;
	s15 =	sadd.s32 s15, s16;
	v58 =	vld [tilespmem:s22+$0x16400];
	s18 =	simm.s32 @!p1 $0xFFFF9A80  }
0x25d: {  	s26 =	sadd.s32 $0x10F, s26;
	s19 =	simm.s32 @!p2 $0xFFFF9B00;
	v1 =	vld [tilespmem:s15+$0x16400];
	s10 =	sadd.s32 s18, s16  }
0x25e: {  	s21 =	sadd.s32 $0xFFFF9C00, s16;
	p1 =	slt.u32 s26, $0xC8;
	s24 =	sadd.s32 s19, s16;
	v59 =	vld [tilespmem:s10+$0x16400]  }
0x25f: {  	s21 =	smov.u32 @p1 s16;
	v60 =	vld [tilespmem:s24+$0x16400]  }
0x260: {  	s8 =	simm.s32 $0x83F0;
	v7 =	vld [tilespmem:s21+$0x16400]  }
0x261: {  	[tilespmem:s8+$0xFFFFFF10] =	vst.add.f32.msk $0xffff, v0  }
0x262: {  	[tilespmem:s8+$0xFFFFFC90] =	vst.add.f32.msk $0xffff, v2  }
0x263: {  	[tilespmem:s8+$0xFFFFFD10] =	vst.add.f32.msk $0xffff, v3  }
0x264: {  	[tilespmem:s8+$0xFFFFFD90] =	vst.add.f32.msk $0xffff, v58  }
0x265: {  	v0 =	vld [tilespmem:s14+$0x16410]  }
0x266: {  	[tilespmem:s8+$0xFFFFFC10] =	vst.add.f32.msk $0xffff, v1  }
0x267: {  	v2 =	vld [tilespmem:s17+$0x16410]  }
0x268: {  	v3 =	vld [tilespmem:s23+$0x16410]  }
0x269: {  	v4 =	vld [tilespmem:s22+$0x16410]  }
0x26a: {  	[tilespmem:s8+$0xFFFFFE10] =	vst.add.f32.msk $0xffff, v59  }
0x26b: {  	[tilespmem:s8+$0xFFFFFE90] =	vst.add.f32.msk $0xffff, v60  }
0x26c: {  	[tilespmem:s8+$0xFFFFFF90] =	vst.add.f32.msk $0xffff, v7  }
0x26d: {  	v1 =	vld [tilespmem:s15+$0x16410]  }
0x26e: {  	v5 =	vld [tilespmem:s10+$0x16410]  }
0x26f: {  	v6 =	vld [tilespmem:s24+$0x16410]  }
0x270: {  	v7 =	vld [tilespmem:s21+$0x16410]  }
0x271: {  	[tilespmem:s8+$0xFFFFFF20] =	vst.add.f32.msk $0xffff, v0  }
0x272: {  	[tilespmem:s8+$0xFFFFFCA0] =	vst.add.f32.msk $0xffff, v2  }
0x273: {  	[tilespmem:s8+$0xFFFFFD20] =	vst.add.f32.msk $0xffff, v3  }
0x274: {  	[tilespmem:s8+$0xFFFFFDA0] =	vst.add.f32.msk $0xffff, v4  }
0x275: {  	v0 =	vld [tilespmem:s14+$0x16420]  }
0x276: {  	[tilespmem:s8+$0xFFFFFC20] =	vst.add.f32.msk $0xffff, v1  }
0x277: {  	v1 =	vld [tilespmem:s17+$0x16420]  }
0x278: {  	v2 =	vld [tilespmem:s23+$0x16420]  }
0x279: {  	v3 =	vld [tilespmem:s22+$0x16420]  }
0x27a: {  	[tilespmem:s8+$0xFFFFFE20] =	vst.add.f32.msk $0xffff, v5  }
0x27b: {  	[tilespmem:s8+$0xFFFFFEA0] =	vst.add.f32.msk $0xffff, v6  }
0x27c: {  	[tilespmem:s8+$0xFFFFFFA0] =	vst.add.f32.msk $0xffff, v7  }
0x27d: {  	v61 =	vld [tilespmem:s10+$0x16420]  }
0x27e: {  	v62 =	vld [tilespmem:s24+$0x16420]  }
0x27f: {  	v63 =	vld [tilespmem:s21+$0x16420]  }
0x280: {  	[tilespmem:s8+$0xFFFFFF30] =	vst.add.f32.msk $0xffff, v0  }
0x281: {  	[tilespmem:s8+$0xFFFFFCB0] =	vst.add.f32.msk $0xffff, v1  }
0x282: {  	[tilespmem:s8+$0xFFFFFD30] =	vst.add.f32.msk $0xffff, v2  }
0x283: {  	[tilespmem:s8+$0xFFFFFDB0] =	vst.add.f32.msk $0xffff, v3  }
0x284: {  	v0 =	vld [tilespmem:s14+$0x16430]  }
0x285: {  	v1 =	vld [tilespmem:s17+$0x16430]  }
0x286: {  	v2 =	vld [tilespmem:s23+$0x16430]  }
0x287: {  	v3 =	vld [tilespmem:s22+$0x16430]  }
0x288: {  	[tilespmem:s8+$0xFFFFFE30] =	vst.add.f32.msk $0xffff, v61  }
0x289: {  	[tilespmem:s8+$0xFFFFFEB0] =	vst.add.f32.msk $0xffff, v62  }
0x28a: {  	[tilespmem:s8+$0xFFFFFFB0] =	vst.add.f32.msk $0xffff, v63  }
0x28b: {  	v4 =	vld [tilespmem:s10+$0x16430]  }
0x28c: {  	v5 =	vld [tilespmem:s24+$0x16430]  }
0x28d: {  	v6 =	vld [tilespmem:s21+$0x16430]  }
0x28e: {  	[tilespmem:s8+$0xFFFFFF40] =	vst.add.f32.msk $0xffff, v0  }
0x28f: {  	[tilespmem:s8+$0xFFFFFCC0] =	vst.add.f32.msk $0xffff, v1  }
0x290: {  	[tilespmem:s8+$0xFFFFFD40] =	vst.add.f32.msk $0xffff, v2  }
0x291: {  	[tilespmem:s8+$0xFFFFFDC0] =	vst.add.f32.msk $0xffff, v3  }
0x292: {  	v0 =	vld [tilespmem:s14+$0x16440]  }
0x293: {  	v1 =	vld [tilespmem:s17+$0x16440]  }
0x294: {  	v2 =	vld [tilespmem:s23+$0x16440]  }
0x295: {  	v3 =	vld [tilespmem:s22+$0x16440]  }
0x296: {  	[tilespmem:s8+$0xFFFFFE40] =	vst.add.f32.msk $0xffff, v4  }
0x297: {  	[tilespmem:s8+$0xFFFFFEC0] =	vst.add.f32.msk $0xffff, v5  }
0x298: {  	[tilespmem:s8+$0xFFFFFFC0] =	vst.add.f32.msk $0xffff, v6  }
0x299: {  	v4 =	vld [tilespmem:s10+$0x16440]  }
0x29a: {  	[tilespmem:s8+$0xFFFFFF50] =	vst.add.f32.msk $0xffff, v0  }
0x29b: {  	v0 =	vld [tilespmem:s14+$0x16450]  }
0x29c: {  	v5 =	vld [tilespmem:s24+$0x16440]  }
0x29d: {  	v6 =	vld [tilespmem:s21+$0x16440]  }
0x29e: {  	[tilespmem:s8+$0xFFFFFCD0] =	vst.add.f32.msk $0xffff, v1  }
0x29f: {  	[tilespmem:s8+$0xFFFFFD50] =	vst.add.f32.msk $0xffff, v2  }
0x2a0: {  	[tilespmem:s8+$0xFFFFFF60] =	vst.add.f32.msk $0xffff, v0  }
0x2a1: {  	v0 =	vld [tilespmem:s14+$0x16460]  }
0x2a2: {  	[tilespmem:s8+$0xFFFFFDD0] =	vst.add.f32.msk $0xffff, v3  }
0x2a3: {  	v1 =	vld [tilespmem:s17+$0x16450]  }
0x2a4: {  	v2 =	vld [tilespmem:s23+$0x16450]  }
0x2a5: {  	v3 =	vld [tilespmem:s22+$0x16450]  }
0x2a6: {  	[tilespmem:s8+$0xFFFFFF70] =	vst.add.f32.msk $0xffff, v0  }
0x2a7: {  	v0 =	vld [tilespmem:s14+$0x16470]  }
0x2a8: {  	[tilespmem:s8+$0xFFFFFE50] =	vst.add.f32.msk $0xffff, v4  }
0x2a9: {  	[tilespmem:s8+$0xFFFFFED0] =	vst.add.f32.msk $0xffff, v5  }
0x2aa: {  	[tilespmem:s8+$0xFFFFFFD0] =	vst.add.f32.msk $0xffff, v6  }
0x2ab: {  	v4 =	vld [tilespmem:s10+$0x16450]  }
0x2ac: {  	[tilespmem:s8+$0xFFFFFF80] =	vst.add.f32.msk $0xffff, v0  }
0x2ad: {  	v0 =	vld [tilespmem:s15+$0x16420]  }
0x2ae: {  	v5 =	vld [tilespmem:s24+$0x16450]  }
0x2af: {  	v6 =	vld [tilespmem:s21+$0x16450]  }
0x2b0: {  	[tilespmem:s8+$0xFFFFFCE0] =	vst.add.f32.msk $0xffff, v1  }
0x2b1: {  	[tilespmem:s8+$0xFFFFFD60] =	vst.add.f32.msk $0xffff, v2  }
0x2b2: {  	[tilespmem:s8+$0xFFFFFC30] =	vst.add.f32.msk $0xffff, v0  }
0x2b3: {  	v0 =	vld [tilespmem:s15+$0x16430]  }
0x2b4: {  	[tilespmem:s8+$0xFFFFFDE0] =	vst.add.f32.msk $0xffff, v3  }
0x2b5: {  	v1 =	vld [tilespmem:s17+$0x16460]  }
0x2b6: {  	v2 =	vld [tilespmem:s23+$0x16460]  }
0x2b7: {  	v3 =	vld [tilespmem:s22+$0x16460]  }
0x2b8: {  	[tilespmem:s8+$0xFFFFFC40] =	vst.add.f32.msk $0xffff, v0  }
0x2b9: {  	v0 =	vld [tilespmem:s15+$0x16440]  }
0x2ba: {  	[tilespmem:s8+$0xFFFFFE60] =	vst.add.f32.msk $0xffff, v4  }
0x2bb: {  	[tilespmem:s8+$0xFFFFFEE0] =	vst.add.f32.msk $0xffff, v5  }
0x2bc: {  	[tilespmem:s8+$0xFFFFFFE0] =	vst.add.f32.msk $0xffff, v6  }
0x2bd: {  	v4 =	vld [tilespmem:s10+$0x16460]  }
0x2be: {  	[tilespmem:s8+$0xFFFFFC50] =	vst.add.f32.msk $0xffff, v0  }
0x2bf: {  	v0 =	vld [tilespmem:s15+$0x16450]  }
0x2c0: {  	v5 =	vld [tilespmem:s24+$0x16460]  }
0x2c1: {  	v6 =	vld [tilespmem:s21+$0x16460]  }
0x2c2: {  	[tilespmem:s8+$0xFFFFFCF0] =	vst.add.f32.msk $0xffff, v1  }
0x2c3: {  	[tilespmem:s8+$0xFFFFFD70] =	vst.add.f32.msk $0xffff, v2  }
0x2c4: {  	[tilespmem:s8+$0xFFFFFC60] =	vst.add.f32.msk $0xffff, v0  }
0x2c5: {  	v0 =	vld [tilespmem:s15+$0x16460]  }
0x2c6: {  	[tilespmem:s8+$0xFFFFFDF0] =	vst.add.f32.msk $0xffff, v3  }
0x2c7: {  	[tilespmem:s8+$0xFFFFFE70] =	vst.add.f32.msk $0xffff, v4  }
0x2c8: {  	[tilespmem:s8+$0xFFFFFEF0] =	vst.add.f32.msk $0xffff, v5  }
0x2c9: {  	[tilespmem:s8+$0xFFFFFFF0] =	vst.add.f32.msk $0xffff, v6  }
0x2ca: {  	[tilespmem:s8+$0xFFFFFC70] =	vst.add.f32.msk $0xffff, v0  }
0x2cb: {  	v0 =	vld [tilespmem:s17+$0x16470]  }
0x2cc: {  	s25 =	simm.s32 $0x0;
	s26 =	smov.u32 s28;
	v1 =	vld [tilespmem:s15+$0x16470]  }
.LBB2_7:
0x2cd: {  	v2 =	vld [tilespmem:s23+$0x16470]  }
0x2ce: {  	v3 =	vld [tilespmem:s22+$0x16470]  }
0x2cf: {  	s14 =	rddreg [dreg:$0xa];
	v4 =	vld [tilespmem:s10+$0x16470]  }
0x2d0: {  	s15 =	smov.u32 s25;
	s19 =	rddreg [dreg:$0xb];
	v5 =	vld [tilespmem:s24+$0x16470];
	s26 =	sadd.s32 $0x400, s26  }
0x2d1: {  	v6 =	vld [tilespmem:s21+$0x16470];
	s10 =	sadd.s32 s15, s14;
	s19 =	sadd.s32 s26, s19  }
0x2d2: {  	s14 =	simm.s32 $0xFFFFFF80;
	s15 =	sadd.s32 $0x108, s10;
	s16 =	sadd.s32 $0x109, s10;
	[tilespmem:s8+$0xFFFFFC80] =	vst.add.f32.msk $0xffff, v1  }
0x2d3: {  	s17 =	sadd.s32 $0x10E, s10;
	s18 =	sadd.s32 $0x10A, s10;
	s22 =	sadd.s32 $0x10B, s10;
	[tilespmem:s8+$0xFFFFFD00] =	vst.add.f32.msk $0xffff, v0  }
0x2d4: {  	s23 =	sadd.s32 $0x10C, s10;
	s24 =	sadd.s32 $0x10D, s10;
	s10 =	sadd.s32 $0x10F, s10;
	[tilespmem:s8+$0xFFFFFD80] =	vst.add.f32.msk $0xffff, v2  }
0x2d5: {  	s21 =	sadd.s32 $0xFFFF9C00, s19;
	p2 =	slt.u32 s17, $0xC8;
	p6 =	slt.u32 s15, $0xC8;
	[tilespmem:s8+$0xFFFFFE00] =	vst.add.f32.msk $0xffff, v3  }
0x2d6: {  	p0 =	slt.u32 s16, $0xC8;
	p5 =	slt.u32 s22, $0xC8;
	p3 =	slt.u32 s24, $0xC8;
	[tilespmem:s8+$0xFFFFFE80] =	vst.add.f32.msk $0xffff, v4  }
0x2d7: {  	s15 =	simm.s32 $0xFFFFFC80;
	s16 =	simm.s32 $0xFFFFFD00;
	s14 =	simm.s32 @!p2 $0xFFFF9B80;
	[tilespmem:s8+$0xFFFFFF00] =	vst.add.f32.msk $0xffff, v5  }
0x2d8: {  	s22 =	simm.s32 $0xFFFFFE00;
	s15 =	simm.s32 @!p6 $0xFFFF9880;
	s14 =	sadd.s32 s14, s19;
	[tilespmem:s8+$0x0] =	vst.add.f32.msk $0xffff, v6  }
0x2d9: {  	s24 =	simm.s32 $0xFFFFFF00;
	s16 =	simm.s32 @!p0 $0xFFFF9900;
	s15 =	sadd.s32 s15, s19;
	v0 =	vld [tilespmem:s14+$0x16400]  }
0x2da: {  	p2 =	slt.u32 s18, $0xC8;
	s22 =	simm.s32 @!p5 $0xFFFF9A00;
	s16 =	sadd.s32 s16, s19;
	v1 =	vld [tilespmem:s15+$0x16400]  }
0x2db: {  	s18 =	simm.s32 $0xFFFFFD80;
	s24 =	simm.s32 @!p3 $0xFFFF9B00;
	s22 =	sadd.s32 s22, s19;
	v2 =	vld [tilespmem:s16+$0x16400]  }
0x2dc: {  	p4 =	slt.u32 s23, $0xC8;
	s18 =	simm.s32 @!p2 $0xFFFF9980;
	s24 =	sadd.s32 s24, s19;
	v58 =	vld [tilespmem:s22+$0x16400]  }
0x2dd: {  	p2 =	slt.u32 s10, $0xC8;
	s10 =	simm.s32 $0xFFFFFE80;
	s23 =	sadd.s32 s18, s19;
	v60 =	vld [tilespmem:s24+$0x16400]  }
0x2de: {  	s10 =	simm.s32 @!p4 $0xFFFF9A80;
	s21 =	smov.u32 @p2 s19;
	v3 =	vld [tilespmem:s23+$0x16400]  }
0x2df: {  	s10 =	sadd.s32 s10, s19;
	v7 =	vld [tilespmem:s21+$0x16400]  }
0x2e0: {  	s8 =	sadd.s32 $0x400, s8;
	v59 =	vld [tilespmem:s10+$0x16400]  }
0x2e1: {  	[tilespmem:s8+$0xFFFFFF10] =	vst.add.f32.msk $0xffff, v0  }
0x2e2: {  	[tilespmem:s8+$0xFFFFFC10] =	vst.add.f32.msk $0xffff, v1  }
0x2e3: {  	[tilespmem:s8+$0xFFFFFC90] =	vst.add.f32.msk $0xffff, v2  }
0x2e4: {  	[tilespmem:s8+$0xFFFFFD90] =	vst.add.f32.msk $0xffff, v58  }
0x2e5: {  	[tilespmem:s8+$0xFFFFFE90] =	vst.add.f32.msk $0xffff, v60  }
0x2e6: {  	v0 =	vld [tilespmem:s14+$0x16410]  }
0x2e7: {  	[tilespmem:s8+$0xFFFFFD10] =	vst.add.f32.msk $0xffff, v3  }
0x2e8: {  	[tilespmem:s8+$0xFFFFFF90] =	vst.add.f32.msk $0xffff, v7  }
0x2e9: {  	v1 =	vld [tilespmem:s15+$0x16410]  }
0x2ea: {  	v2 =	vld [tilespmem:s16+$0x16410]  }
0x2eb: {  	v4 =	vld [tilespmem:s22+$0x16410]  }
0x2ec: {  	v6 =	vld [tilespmem:s24+$0x16410]  }
0x2ed: {  	[tilespmem:s8+$0xFFFFFE10] =	vst.add.f32.msk $0xffff, v59  }
0x2ee: {  	v3 =	vld [tilespmem:s23+$0x16410]  }
0x2ef: {  	v7 =	vld [tilespmem:s21+$0x16410]  }
0x2f0: {  	v5 =	vld [tilespmem:s10+$0x16410]  }
0x2f1: {  	[tilespmem:s8+$0xFFFFFF20] =	vst.add.f32.msk $0xffff, v0  }
0x2f2: {  	[tilespmem:s8+$0xFFFFFC20] =	vst.add.f32.msk $0xffff, v1  }
0x2f3: {  	[tilespmem:s8+$0xFFFFFCA0] =	vst.add.f32.msk $0xffff, v2  }
0x2f4: {  	[tilespmem:s8+$0xFFFFFDA0] =	vst.add.f32.msk $0xffff, v4  }
0x2f5: {  	[tilespmem:s8+$0xFFFFFEA0] =	vst.add.f32.msk $0xffff, v6  }
0x2f6: {  	v0 =	vld [tilespmem:s14+$0x16420]  }
0x2f7: {  	[tilespmem:s8+$0xFFFFFD20] =	vst.add.f32.msk $0xffff, v3  }
0x2f8: {  	[tilespmem:s8+$0xFFFFFFA0] =	vst.add.f32.msk $0xffff, v7  }
0x2f9: {  	v1 =	vld [tilespmem:s16+$0x16420]  }
0x2fa: {  	v3 =	vld [tilespmem:s22+$0x16420]  }
0x2fb: {  	v62 =	vld [tilespmem:s24+$0x16420]  }
0x2fc: {  	[tilespmem:s8+$0xFFFFFE20] =	vst.add.f32.msk $0xffff, v5  }
0x2fd: {  	v2 =	vld [tilespmem:s23+$0x16420]  }
0x2fe: {  	v63 =	vld [tilespmem:s21+$0x16420]  }
0x2ff: {  	v61 =	vld [tilespmem:s10+$0x16420]  }
0x300: {  	[tilespmem:s8+$0xFFFFFF30] =	vst.add.f32.msk $0xffff, v0  }
0x301: {  	[tilespmem:s8+$0xFFFFFCB0] =	vst.add.f32.msk $0xffff, v1  }
0x302: {  	[tilespmem:s8+$0xFFFFFDB0] =	vst.add.f32.msk $0xffff, v3  }
0x303: {  	[tilespmem:s8+$0xFFFFFEB0] =	vst.add.f32.msk $0xffff, v62  }
0x304: {  	v0 =	vld [tilespmem:s14+$0x16430]  }
0x305: {  	[tilespmem:s8+$0xFFFFFD30] =	vst.add.f32.msk $0xffff, v2  }
0x306: {  	[tilespmem:s8+$0xFFFFFFB0] =	vst.add.f32.msk $0xffff, v63  }
0x307: {  	v1 =	vld [tilespmem:s16+$0x16430]  }
0x308: {  	v3 =	vld [tilespmem:s22+$0x16430]  }
0x309: {  	v5 =	vld [tilespmem:s24+$0x16430]  }
0x30a: {  	[tilespmem:s8+$0xFFFFFE30] =	vst.add.f32.msk $0xffff, v61  }
0x30b: {  	v2 =	vld [tilespmem:s23+$0x16430]  }
0x30c: {  	v6 =	vld [tilespmem:s21+$0x16430]  }
0x30d: {  	v4 =	vld [tilespmem:s10+$0x16430]  }
0x30e: {  	[tilespmem:s8+$0xFFFFFF40] =	vst.add.f32.msk $0xffff, v0  }
0x30f: {  	[tilespmem:s8+$0xFFFFFCC0] =	vst.add.f32.msk $0xffff, v1  }
0x310: {  	[tilespmem:s8+$0xFFFFFDC0] =	vst.add.f32.msk $0xffff, v3  }
0x311: {  	[tilespmem:s8+$0xFFFFFEC0] =	vst.add.f32.msk $0xffff, v5  }
0x312: {  	v0 =	vld [tilespmem:s14+$0x16440]  }
0x313: {  	[tilespmem:s8+$0xFFFFFD40] =	vst.add.f32.msk $0xffff, v2  }
0x314: {  	[tilespmem:s8+$0xFFFFFFC0] =	vst.add.f32.msk $0xffff, v6  }
0x315: {  	v1 =	vld [tilespmem:s16+$0x16440]  }
0x316: {  	v3 =	vld [tilespmem:s22+$0x16440]  }
0x317: {  	v5 =	vld [tilespmem:s24+$0x16440]  }
0x318: {  	[tilespmem:s8+$0xFFFFFE40] =	vst.add.f32.msk $0xffff, v4  }
0x319: {  	v2 =	vld [tilespmem:s23+$0x16440]  }
0x31a: {  	[tilespmem:s8+$0xFFFFFF50] =	vst.add.f32.msk $0xffff, v0  }
0x31b: {  	v0 =	vld [tilespmem:s14+$0x16450]  }
0x31c: {  	v6 =	vld [tilespmem:s21+$0x16440]  }
0x31d: {  	v4 =	vld [tilespmem:s10+$0x16440]  }
0x31e: {  	[tilespmem:s8+$0xFFFFFCD0] =	vst.add.f32.msk $0xffff, v1  }
0x31f: {  	[tilespmem:s8+$0xFFFFFDD0] =	vst.add.f32.msk $0xffff, v3  }
0x320: {  	[tilespmem:s8+$0xFFFFFF60] =	vst.add.f32.msk $0xffff, v0  }
0x321: {  	v0 =	vld [tilespmem:s14+$0x16460]  }
0x322: {  	[tilespmem:s8+$0xFFFFFED0] =	vst.add.f32.msk $0xffff, v5  }
0x323: {  	[tilespmem:s8+$0xFFFFFD50] =	vst.add.f32.msk $0xffff, v2  }
0x324: {  	[tilespmem:s8+$0xFFFFFFD0] =	vst.add.f32.msk $0xffff, v6  }
0x325: {  	v1 =	vld [tilespmem:s16+$0x16450]  }
0x326: {  	[tilespmem:s8+$0xFFFFFF70] =	vst.add.f32.msk $0xffff, v0  }
0x327: {  	v0 =	vld [tilespmem:s14+$0x16470]  }
0x328: {  	v3 =	vld [tilespmem:s22+$0x16450]  }
0x329: {  	v5 =	vld [tilespmem:s24+$0x16450]  }
0x32a: {  	[tilespmem:s8+$0xFFFFFE50] =	vst.add.f32.msk $0xffff, v4  }
0x32b: {  	v2 =	vld [tilespmem:s23+$0x16450]  }
0x32c: {  	[tilespmem:s8+$0xFFFFFF80] =	vst.add.f32.msk $0xffff, v0  }
0x32d: {  	v0 =	vld [tilespmem:s15+$0x16420]  }
0x32e: {  	v6 =	vld [tilespmem:s21+$0x16450]  }
0x32f: {  	v4 =	vld [tilespmem:s10+$0x16450]  }
0x330: {  	[tilespmem:s8+$0xFFFFFCE0] =	vst.add.f32.msk $0xffff, v1  }
0x331: {  	[tilespmem:s8+$0xFFFFFDE0] =	vst.add.f32.msk $0xffff, v3  }
0x332: {  	[tilespmem:s8+$0xFFFFFC30] =	vst.add.f32.msk $0xffff, v0  }
0x333: {  	v0 =	vld [tilespmem:s15+$0x16430]  }
0x334: {  	[tilespmem:s8+$0xFFFFFEE0] =	vst.add.f32.msk $0xffff, v5  }
0x335: {  	[tilespmem:s8+$0xFFFFFD60] =	vst.add.f32.msk $0xffff, v2  }
0x336: {  	[tilespmem:s8+$0xFFFFFFE0] =	vst.add.f32.msk $0xffff, v6  }
0x337: {  	v1 =	vld [tilespmem:s16+$0x16460]  }
0x338: {  	[tilespmem:s8+$0xFFFFFC40] =	vst.add.f32.msk $0xffff, v0  }
0x339: {  	v0 =	vld [tilespmem:s15+$0x16440]  }
0x33a: {  	v3 =	vld [tilespmem:s22+$0x16460]  }
0x33b: {  	v5 =	vld [tilespmem:s24+$0x16460]  }
0x33c: {  	[tilespmem:s8+$0xFFFFFE60] =	vst.add.f32.msk $0xffff, v4  }
0x33d: {  	v2 =	vld [tilespmem:s23+$0x16460]  }
0x33e: {  	[tilespmem:s8+$0xFFFFFC50] =	vst.add.f32.msk $0xffff, v0  }
0x33f: {  	v0 =	vld [tilespmem:s15+$0x16450]  }
0x340: {  	v6 =	vld [tilespmem:s21+$0x16460]  }
0x341: {  	v4 =	vld [tilespmem:s10+$0x16460]  }
0x342: {  	[tilespmem:s8+$0xFFFFFCF0] =	vst.add.f32.msk $0xffff, v1  }
0x343: {  	[tilespmem:s8+$0xFFFFFDF0] =	vst.add.f32.msk $0xffff, v3  }
0x344: {  	[tilespmem:s8+$0xFFFFFC60] =	vst.add.f32.msk $0xffff, v0  }
0x345: {  	v0 =	vld [tilespmem:s15+$0x16460]  }
0x346: {  	s25 =	sadd.s32 $0x8, s25;
	[tilespmem:s8+$0xFFFFFEF0] =	vst.add.f32.msk $0xffff, v5  }
0x347: {  	p1 =	slt.u32 s25, $0x78;
	[tilespmem:s8+$0xFFFFFD70] =	vst.add.f32.msk $0xffff, v2  }
.Ltmp2:
0x348: {  	[tilespmem:s8+$0xFFFFFFF0] =	vst.add.f32.msk $0xffff, v6;
	(pc) =	sbr.rel @p1 .LBB2_7-.Ltmp2, $4  }
0x349: {  	[tilespmem:s8+$0xFFFFFE70] =	vst.add.f32.msk $0xffff, v4  }
0x34a: {  	[tilespmem:s8+$0xFFFFFC70] =	vst.add.f32.msk $0xffff, v0  }
0x34b: {  	v0 =	vld [tilespmem:s16+$0x16470]  }
0x34c: {  	v1 =	vld [tilespmem:s15+$0x16470]  }
0x34d: {  	v2 =	vld [tilespmem:s23+$0x16470]  }
0x34e: {  	v3 =	vld [tilespmem:s22+$0x16470]  }
0x34f: {  	v4 =	vld [tilespmem:s10+$0x16470]  }
0x350: {  	v5 =	vld [tilespmem:s24+$0x16470]  }
0x351: {  	v6 =	vld [tilespmem:s21+$0x16470]  }
0x352: {  	[tilespmem:s8+$0xFFFFFD00] =	vst.add.f32.msk $0xffff, v0  }
0x353: {  	[tilespmem:s8+$0xFFFFFC80] =	vst.add.f32.msk $0xffff, v1  }
0x354: {  	[tilespmem:s8+$0xFFFFFD80] =	vst.add.f32.msk $0xffff, v2  }
0x355: {  	[tilespmem:s8+$0xFFFFFE00] =	vst.add.f32.msk $0xffff, v3  }
0x356: {  	[tilespmem:s8+$0xFFFFFE80] =	vst.add.f32.msk $0xffff, v4  }
0x357: {  	[tilespmem:s8+$0xFFFFFF00] =	vst.add.f32.msk $0xffff, v5  }
0x358: {  	s9 =	sadd.s32 s7, s9;
	[tilespmem:s8+$0x0] =	vst.add.f32.msk $0xffff, v6  }
0x359: {  	s9 =	sshll.u32 s9, $0x4;
	s19 =	sld [smem:$0x7FB]  }
0x35a: {  	s26 =	simm.s32 $0x8000;
	s18 =	sadd.s32 s4, s9  }
0x35b: {  	[hbm4b:s18+s5] =	stream.linear.scatter [tilespmem:s26], [sflag:$0x7], $0x4000, $0x38;
	[tilespmem:$0x1C800] =	vst v63  }
0x35c: {  	p0 =	seq.s32 s19, $0x1  }
0x35d: {  	s8 =	simm.s32 @!p0 $0x6  }
0x35e: {  	_ =	swait.ge @!p0 [sflag:s8], $0x4000  }
0x35f: {  	s6 =	sadd.s32 @!p0 $0x10280, s6;
	[sflag:s8] =	ssyncset.done @!p0 $0x0  }
0x360: {  	s9 =	simm.s32 @!p0 $0x4000;
	[sflag:s8] =	ssyncadd.s32 @!p0 $0xFFFFC000;
	s8 =	simm.s32 @!p0 $0x80  }
0x361: {  	[tilespmem:s9], [sflag:$0x2] =	stream.indirect.gather @!p0 [hbm4b:s2+s8], $0x80, s6, s8, $0xb8;
	[tilespmem:$0x1C800] =	vst v63  }
0x362: {  	_ =	swait.ge [sflag:s20], $0x4000  }
0x363: {  	s10 =	simm.s32 $0xFFFFFD00;
	s18 =	simm.s32 $0xFFFFFD80;
	s21 =	rddreg [dreg:$0xc]  }
0x364: {  	s9 =	simm.s32 $0xFFFFFF80;
	s22 =	rddreg [dreg:$0xd];
	[sflag:s20] =	ssyncset.done $0x0  }
0x365: {  	s8 =	sadd.s32 $0xFFFFFFF8, s21;
	s16 =	sadd.s32 s29, s22;
	[sflag:s20] =	ssyncadd.s32 $0xFFFFC000  }
0x366: {  	s23 =	sadd.s32 $0x18E, s8;
	s24 =	sadd.s32 $0x188, s8;
	s25 =	sadd.s32 $0x189, s8  }
0x367: {  	s15 =	sadd.s32 $0x18A, s8;
	s17 =	sadd.s32 $0x18B, s8;
	p0 =	slt.u32 s23, $0xC8  }
0x368: {  	p1 =	slt.u32 s25, $0xC8;
	p2 =	slt.u32 s15, $0xC8;
	p3 =	slt.u32 s17, $0xC8  }
0x369: {  	s25 =	sadd.s32 $0x18D, s8;
	s9 =	simm.s32 @!p0 $0xFFFF9B80;
	p0 =	slt.u32 s24, $0xC8  }
0x36a: {  	s10 =	simm.s32 @!p1 $0xFFFF9900;
	s18 =	simm.s32 @!p2 $0xFFFF9980;
	s24 =	sadd.s32 $0x18C, s8  }
0x36b: {  	p1 =	slt.u32 s25, $0xC8;
	s8 =	sadd.s32 $0x18F, s8;
	s14 =	sadd.s32 s9, s16  }
0x36c: {  	s9 =	simm.s32 $0xFFFFFC80;
	s19 =	sadd.s32 s10, s16;
	s21 =	sadd.s32 s18, s16;
	v0 =	vld [tilespmem:s14+$0x16400]  }
0x36d: {  	s10 =	simm.s32 $0xFFFFFE80;
	s18 =	simm.s32 $0xFFFFFF00;
	s9 =	simm.s32 @!p0 $0xFFFF9880;
	v2 =	vld [tilespmem:s19+$0x16400]  }
0x36e: {  	v3 =	vld [tilespmem:s21+$0x16400];
	p0 =	slt.u32 s24, $0xC8;
	s18 =	simm.s32 @!p1 $0xFFFF9B00;
	s17 =	sadd.s32 s9, s16  }
0x36f: {  	s9 =	simm.s32 $0xFFFFFE00;
	s10 =	simm.s32 @!p0 $0xFFFF9A80;
	s22 =	sadd.s32 s18, s16;
	v1 =	vld [tilespmem:s17+$0x16400]  }
0x370: {  	p0 =	slt.u32 s8, $0xC8;
	s8 =	sadd.s32 $0xFFFF9C00, s16;
	s10 =	sadd.s32 s10, s16;
	v60 =	vld [tilespmem:s22+$0x16400]  }
0x371: {  	s9 =	simm.s32 @!p3 $0xFFFF9A00;
	s8 =	smov.u32 @p0 s16;
	v59 =	vld [tilespmem:s10+$0x16400]  }
0x372: {  	s9 =	sadd.s32 s9, s16;
	v7 =	vld [tilespmem:s8+$0x16400]  }
0x373: {  	s6 =	simm.s32 $0xC3F0;
	v58 =	vld [tilespmem:s9+$0x16400]  }
0x374: {  	[tilespmem:s6+$0xFFFFFF10] =	vst.add.f32.msk $0xffff, v0  }
0x375: {  	[tilespmem:s6+$0xFFFFFC90] =	vst.add.f32.msk $0xffff, v2  }
0x376: {  	[tilespmem:s6+$0xFFFFFD10] =	vst.add.f32.msk $0xffff, v3  }
0x377: {  	v0 =	vld [tilespmem:s14+$0x16410]  }
0x378: {  	v2 =	vld [tilespmem:s19+$0x16410]  }
0x379: {  	v3 =	vld [tilespmem:s21+$0x16410]  }
0x37a: {  	[tilespmem:s6+$0xFFFFFC10] =	vst.add.f32.msk $0xffff, v1  }
0x37b: {  	[tilespmem:s6+$0xFFFFFE90] =	vst.add.f32.msk $0xffff, v60  }
0x37c: {  	[tilespmem:s6+$0xFFFFFE10] =	vst.add.f32.msk $0xffff, v59  }
0x37d: {  	[tilespmem:s6+$0xFFFFFF90] =	vst.add.f32.msk $0xffff, v7  }
0x37e: {  	v1 =	vld [tilespmem:s17+$0x16410]  }
0x37f: {  	v6 =	vld [tilespmem:s22+$0x16410]  }
0x380: {  	[tilespmem:s6+$0xFFFFFD90] =	vst.add.f32.msk $0xffff, v58  }
0x381: {  	v5 =	vld [tilespmem:s10+$0x16410]  }
0x382: {  	v7 =	vld [tilespmem:s8+$0x16410]  }
0x383: {  	v4 =	vld [tilespmem:s9+$0x16410]  }
0x384: {  	[tilespmem:s6+$0xFFFFFF20] =	vst.add.f32.msk $0xffff, v0  }
0x385: {  	[tilespmem:s6+$0xFFFFFCA0] =	vst.add.f32.msk $0xffff, v2  }
0x386: {  	[tilespmem:s6+$0xFFFFFD20] =	vst.add.f32.msk $0xffff, v3  }
0x387: {  	v0 =	vld [tilespmem:s14+$0x16420]  }
0x388: {  	v2 =	vld [tilespmem:s21+$0x16420]  }
0x389: {  	[tilespmem:s6+$0xFFFFFC20] =	vst.add.f32.msk $0xffff, v1  }
0x38a: {  	[tilespmem:s6+$0xFFFFFEA0] =	vst.add.f32.msk $0xffff, v6  }
0x38b: {  	v1 =	vld [tilespmem:s19+$0x16420]  }
0x38c: {  	[tilespmem:s6+$0xFFFFFE20] =	vst.add.f32.msk $0xffff, v5  }
0x38d: {  	[tilespmem:s6+$0xFFFFFFA0] =	vst.add.f32.msk $0xffff, v7  }
0x38e: {  	v62 =	vld [tilespmem:s22+$0x16420]  }
0x38f: {  	[tilespmem:s6+$0xFFFFFDA0] =	vst.add.f32.msk $0xffff, v4  }
0x390: {  	v61 =	vld [tilespmem:s10+$0x16420]  }
0x391: {  	v63 =	vld [tilespmem:s8+$0x16420]  }
0x392: {  	v3 =	vld [tilespmem:s9+$0x16420]  }
0x393: {  	[tilespmem:s6+$0xFFFFFF30] =	vst.add.f32.msk $0xffff, v0  }
0x394: {  	[tilespmem:s6+$0xFFFFFD30] =	vst.add.f32.msk $0xffff, v2  }
0x395: {  	v0 =	vld [tilespmem:s14+$0x16430]  }
0x396: {  	[tilespmem:s6+$0xFFFFFCB0] =	vst.add.f32.msk $0xffff, v1  }
0x397: {  	v2 =	vld [tilespmem:s21+$0x16430]  }
0x398: {  	[tilespmem:s6+$0xFFFFFEB0] =	vst.add.f32.msk $0xffff, v62  }
0x399: {  	v1 =	vld [tilespmem:s19+$0x16430]  }
0x39a: {  	[tilespmem:s6+$0xFFFFFE30] =	vst.add.f32.msk $0xffff, v61  }
0x39b: {  	[tilespmem:s6+$0xFFFFFFB0] =	vst.add.f32.msk $0xffff, v63  }
0x39c: {  	v5 =	vld [tilespmem:s22+$0x16430]  }
0x39d: {  	[tilespmem:s6+$0xFFFFFDB0] =	vst.add.f32.msk $0xffff, v3  }
0x39e: {  	v4 =	vld [tilespmem:s10+$0x16430]  }
0x39f: {  	v6 =	vld [tilespmem:s8+$0x16430]  }
0x3a0: {  	v3 =	vld [tilespmem:s9+$0x16430]  }
0x3a1: {  	[tilespmem:s6+$0xFFFFFF40] =	vst.add.f32.msk $0xffff, v0  }
0x3a2: {  	[tilespmem:s6+$0xFFFFFD40] =	vst.add.f32.msk $0xffff, v2  }
0x3a3: {  	v0 =	vld [tilespmem:s14+$0x16440]  }
0x3a4: {  	[tilespmem:s6+$0xFFFFFCC0] =	vst.add.f32.msk $0xffff, v1  }
0x3a5: {  	v2 =	vld [tilespmem:s21+$0x16440]  }
0x3a6: {  	[tilespmem:s6+$0xFFFFFEC0] =	vst.add.f32.msk $0xffff, v5  }
0x3a7: {  	v1 =	vld [tilespmem:s19+$0x16440]  }
0x3a8: {  	[tilespmem:s6+$0xFFFFFE40] =	vst.add.f32.msk $0xffff, v4  }
0x3a9: {  	[tilespmem:s6+$0xFFFFFFC0] =	vst.add.f32.msk $0xffff, v6  }
0x3aa: {  	v5 =	vld [tilespmem:s22+$0x16440]  }
0x3ab: {  	[tilespmem:s6+$0xFFFFFDC0] =	vst.add.f32.msk $0xffff, v3  }
0x3ac: {  	v4 =	vld [tilespmem:s10+$0x16440]  }
0x3ad: {  	[tilespmem:s6+$0xFFFFFF50] =	vst.add.f32.msk $0xffff, v0  }
0x3ae: {  	v0 =	vld [tilespmem:s14+$0x16450]  }
0x3af: {  	v6 =	vld [tilespmem:s8+$0x16440]  }
0x3b0: {  	v3 =	vld [tilespmem:s9+$0x16440]  }
0x3b1: {  	[tilespmem:s6+$0xFFFFFD50] =	vst.add.f32.msk $0xffff, v2  }
0x3b2: {  	[tilespmem:s6+$0xFFFFFCD0] =	vst.add.f32.msk $0xffff, v1  }
0x3b3: {  	[tilespmem:s6+$0xFFFFFF60] =	vst.add.f32.msk $0xffff, v0  }
0x3b4: {  	v0 =	vld [tilespmem:s14+$0x16460]  }
0x3b5: {  	v2 =	vld [tilespmem:s21+$0x16450]  }
0x3b6: {  	[tilespmem:s6+$0xFFFFFED0] =	vst.add.f32.msk $0xffff, v5  }
0x3b7: {  	v1 =	vld [tilespmem:s19+$0x16450]  }
0x3b8: {  	[tilespmem:s6+$0xFFFFFE50] =	vst.add.f32.msk $0xffff, v4  }
0x3b9: {  	[tilespmem:s6+$0xFFFFFF70] =	vst.add.f32.msk $0xffff, v0  }
0x3ba: {  	v0 =	vld [tilespmem:s14+$0x16470]  }
0x3bb: {  	[tilespmem:s6+$0xFFFFFFD0] =	vst.add.f32.msk $0xffff, v6  }
0x3bc: {  	v5 =	vld [tilespmem:s22+$0x16450]  }
0x3bd: {  	[tilespmem:s6+$0xFFFFFDD0] =	vst.add.f32.msk $0xffff, v3  }
0x3be: {  	v4 =	vld [tilespmem:s10+$0x16450]  }
0x3bf: {  	[tilespmem:s6+$0xFFFFFF80] =	vst.add.f32.msk $0xffff, v0  }
0x3c0: {  	v0 =	vld [tilespmem:s17+$0x16420]  }
0x3c1: {  	v6 =	vld [tilespmem:s8+$0x16450]  }
0x3c2: {  	v3 =	vld [tilespmem:s9+$0x16450]  }
0x3c3: {  	[tilespmem:s6+$0xFFFFFD60] =	vst.add.f32.msk $0xffff, v2  }
0x3c4: {  	[tilespmem:s6+$0xFFFFFCE0] =	vst.add.f32.msk $0xffff, v1  }
0x3c5: {  	[tilespmem:s6+$0xFFFFFC30] =	vst.add.f32.msk $0xffff, v0  }
0x3c6: {  	v0 =	vld [tilespmem:s17+$0x16430]  }
0x3c7: {  	v2 =	vld [tilespmem:s21+$0x16460]  }
0x3c8: {  	[tilespmem:s6+$0xFFFFFEE0] =	vst.add.f32.msk $0xffff, v5  }
0x3c9: {  	v1 =	vld [tilespmem:s19+$0x16460]  }
0x3ca: {  	[tilespmem:s6+$0xFFFFFE60] =	vst.add.f32.msk $0xffff, v4  }
0x3cb: {  	[tilespmem:s6+$0xFFFFFC40] =	vst.add.f32.msk $0xffff, v0  }
0x3cc: {  	v0 =	vld [tilespmem:s17+$0x16440]  }
0x3cd: {  	[tilespmem:s6+$0xFFFFFFE0] =	vst.add.f32.msk $0xffff, v6  }
0x3ce: {  	v5 =	vld [tilespmem:s22+$0x16460]  }
0x3cf: {  	[tilespmem:s6+$0xFFFFFDE0] =	vst.add.f32.msk $0xffff, v3  }
0x3d0: {  	v4 =	vld [tilespmem:s10+$0x16460]  }
0x3d1: {  	[tilespmem:s6+$0xFFFFFC50] =	vst.add.f32.msk $0xffff, v0  }
0x3d2: {  	v0 =	vld [tilespmem:s17+$0x16450]  }
0x3d3: {  	v6 =	vld [tilespmem:s8+$0x16460]  }
0x3d4: {  	v3 =	vld [tilespmem:s9+$0x16460]  }
0x3d5: {  	[tilespmem:s6+$0xFFFFFD70] =	vst.add.f32.msk $0xffff, v2  }
0x3d6: {  	[tilespmem:s6+$0xFFFFFCF0] =	vst.add.f32.msk $0xffff, v1  }
0x3d7: {  	[tilespmem:s6+$0xFFFFFC60] =	vst.add.f32.msk $0xffff, v0  }
0x3d8: {  	v0 =	vld [tilespmem:s17+$0x16460]  }
0x3d9: {  	[tilespmem:s6+$0xFFFFFEF0] =	vst.add.f32.msk $0xffff, v5  }
0x3da: {  	[tilespmem:s6+$0xFFFFFE70] =	vst.add.f32.msk $0xffff, v4  }
0x3db: {  	[tilespmem:s6+$0xFFFFFFF0] =	vst.add.f32.msk $0xffff, v6  }
0x3dc: {  	[tilespmem:s6+$0xFFFFFDF0] =	vst.add.f32.msk $0xffff, v3  }
0x3dd: {  	[tilespmem:s6+$0xFFFFFC70] =	vst.add.f32.msk $0xffff, v0  }
0x3de: {  	v0 =	vld [tilespmem:s19+$0x16470]  }
0x3df: {  	s23 =	simm.s32 $0x0;
	s24 =	smov.u32 s29;
	v1 =	vld [tilespmem:s17+$0x16470]  }
.LBB2_9:
0x3e0: {  	v2 =	vld [tilespmem:s21+$0x16470]  }
0x3e1: {  	v3 =	vld [tilespmem:s9+$0x16470]  }
0x3e2: {  	s14 =	rddreg [dreg:$0xc];
	v4 =	vld [tilespmem:s10+$0x16470]  }
0x3e3: {  	s15 =	smov.u32 s23;
	s21 =	rddreg [dreg:$0xd];
	v5 =	vld [tilespmem:s22+$0x16470];
	s24 =	sadd.s32 $0x400, s24  }
0x3e4: {  	v6 =	vld [tilespmem:s8+$0x16470];
	s8 =	simm.s32 $0xFFFFFC80;
	s10 =	simm.s32 $0xFFFFFD00;
	s9 =	sadd.s32 s15, s14  }
0x3e5: {  	s18 =	sadd.s32 s24, s21;
	s15 =	sadd.s32 $0x188, s9;
	s16 =	sadd.s32 $0x189, s9;
	[tilespmem:s6+$0xFFFFFC80] =	vst.add.f32.msk $0xffff, v1  }
0x3e6: {  	s14 =	sadd.s32 $0x18E, s9;
	s22 =	sadd.s32 $0x18A, s9;
	s25 =	sadd.s32 $0x18B, s9;
	[tilespmem:s6+$0xFFFFFD00] =	vst.add.f32.msk $0xffff, v0  }
0x3e7: {  	s17 =	sadd.s32 $0x18C, s9;
	s19 =	sadd.s32 $0x18D, s9;
	s9 =	sadd.s32 $0x18F, s9;
	[tilespmem:s6+$0xFFFFFD80] =	vst.add.f32.msk $0xffff, v2  }
0x3e8: {  	p1 =	slt.u32 s14, $0xC8;
	s14 =	simm.s32 $0xFFFFFF80;
	p5 =	slt.u32 s15, $0xC8;
	[tilespmem:s6+$0xFFFFFE00] =	vst.add.f32.msk $0xffff, v3  }
0x3e9: {  	p6 =	slt.u32 s16, $0xC8;
	p4 =	slt.u32 s25, $0xC8;
	p3 =	slt.u32 s17, $0xC8;
	[tilespmem:s6+$0xFFFFFE80] =	vst.add.f32.msk $0xffff, v4  }
0x3ea: {  	p2 =	slt.u32 s19, $0xC8;
	s16 =	simm.s32 $0xFFFFFD80;
	s14 =	simm.s32 @!p1 $0xFFFF9B80;
	[tilespmem:s6+$0xFFFFFF00] =	vst.add.f32.msk $0xffff, v5  }
0x3eb: {  	s19 =	simm.s32 $0xFFFFFE00;
	s8 =	simm.s32 @!p5 $0xFFFF9880;
	s14 =	sadd.s32 s14, s18;
	[tilespmem:s6+$0x0] =	vst.add.f32.msk $0xffff, v6  }
0x3ec: {  	p1 =	slt.u32 s22, $0xC8;
	s10 =	simm.s32 @!p6 $0xFFFF9900;
	s17 =	sadd.s32 s8, s18;
	v0 =	vld [tilespmem:s14+$0x16400]  }
0x3ed: {  	s19 =	simm.s32 @!p4 $0xFFFF9A00;
	s22 =	simm.s32 $0xFFFFFE80;
	s15 =	sadd.s32 s10, s18;
	v1 =	vld [tilespmem:s17+$0x16400]  }
0x3ee: {  	s16 =	simm.s32 @!p1 $0xFFFF9980;
	p1 =	slt.u32 s9, $0xC8;
	s9 =	sadd.s32 s19, s18;
	v2 =	vld [tilespmem:s15+$0x16400]  }
0x3ef: {  	s25 =	simm.s32 $0xFFFFFF00;
	s22 =	simm.s32 @!p3 $0xFFFF9A80;
	s21 =	sadd.s32 s16, s18;
	v58 =	vld [tilespmem:s9+$0x16400]  }
0x3f0: {  	s25 =	simm.s32 @!p2 $0xFFFF9B00;
	s10 =	sadd.s32 s22, s18;
	v3 =	vld [tilespmem:s21+$0x16400]  }
0x3f1: {  	s8 =	sadd.s32 $0xFFFF9C00, s18;
	s22 =	sadd.s32 s25, s18;
	v59 =	vld [tilespmem:s10+$0x16400]  }
0x3f2: {  	s8 =	smov.u32 @p1 s18;
	v60 =	vld [tilespmem:s22+$0x16400]  }
0x3f3: {  	s6 =	sadd.s32 $0x400, s6;
	v7 =	vld [tilespmem:s8+$0x16400]  }
0x3f4: {  	[tilespmem:s6+$0xFFFFFF10] =	vst.add.f32.msk $0xffff, v0  }
0x3f5: {  	[tilespmem:s6+$0xFFFFFC10] =	vst.add.f32.msk $0xffff, v1  }
0x3f6: {  	[tilespmem:s6+$0xFFFFFC90] =	vst.add.f32.msk $0xffff, v2  }
0x3f7: {  	[tilespmem:s6+$0xFFFFFD90] =	vst.add.f32.msk $0xffff, v58  }
0x3f8: {  	v0 =	vld [tilespmem:s14+$0x16410]  }
0x3f9: {  	[tilespmem:s6+$0xFFFFFD10] =	vst.add.f32.msk $0xffff, v3  }
0x3fa: {  	[tilespmem:s6+$0xFFFFFE10] =	vst.add.f32.msk $0xffff, v59  }
0x3fb: {  	[tilespmem:s6+$0xFFFFFE90] =	vst.add.f32.msk $0xffff, v60  }
0x3fc: {  	[tilespmem:s6+$0xFFFFFF90] =	vst.add.f32.msk $0xffff, v7  }
0x3fd: {  	v1 =	vld [tilespmem:s17+$0x16410]  }
0x3fe: {  	v2 =	vld [tilespmem:s15+$0x16410]  }
0x3ff: {  	v4 =	vld [tilespmem:s9+$0x16410]  }
0x400: {  	v3 =	vld [tilespmem:s21+$0x16410]  }
0x401: {  	v5 =	vld [tilespmem:s10+$0x16410]  }
0x402: {  	v6 =	vld [tilespmem:s22+$0x16410]  }
0x403: {  	v7 =	vld [tilespmem:s8+$0x16410]  }
0x404: {  	[tilespmem:s6+$0xFFFFFF20] =	vst.add.f32.msk $0xffff, v0  }
0x405: {  	[tilespmem:s6+$0xFFFFFC20] =	vst.add.f32.msk $0xffff, v1  }
0x406: {  	[tilespmem:s6+$0xFFFFFCA0] =	vst.add.f32.msk $0xffff, v2  }
0x407: {  	[tilespmem:s6+$0xFFFFFDA0] =	vst.add.f32.msk $0xffff, v4  }
0x408: {  	v0 =	vld [tilespmem:s14+$0x16420]  }
0x409: {  	[tilespmem:s6+$0xFFFFFD20] =	vst.add.f32.msk $0xffff, v3  }
0x40a: {  	[tilespmem:s6+$0xFFFFFE20] =	vst.add.f32.msk $0xffff, v5  }
0x40b: {  	[tilespmem:s6+$0xFFFFFEA0] =	vst.add.f32.msk $0xffff, v6  }
0x40c: {  	[tilespmem:s6+$0xFFFFFFA0] =	vst.add.f32.msk $0xffff, v7  }
0x40d: {  	v1 =	vld [tilespmem:s15+$0x16420]  }
0x40e: {  	v3 =	vld [tilespmem:s9+$0x16420]  }
0x40f: {  	v2 =	vld [tilespmem:s21+$0x16420]  }
0x410: {  	v61 =	vld [tilespmem:s10+$0x16420]  }
0x411: {  	v62 =	vld [tilespmem:s22+$0x16420]  }
0x412: {  	v63 =	vld [tilespmem:s8+$0x16420]  }
0x413: {  	[tilespmem:s6+$0xFFFFFF30] =	vst.add.f32.msk $0xffff, v0  }
0x414: {  	[tilespmem:s6+$0xFFFFFCB0] =	vst.add.f32.msk $0xffff, v1  }
0x415: {  	[tilespmem:s6+$0xFFFFFDB0] =	vst.add.f32.msk $0xffff, v3  }
0x416: {  	v0 =	vld [tilespmem:s14+$0x16430]  }
0x417: {  	[tilespmem:s6+$0xFFFFFD30] =	vst.add.f32.msk $0xffff, v2  }
0x418: {  	[tilespmem:s6+$0xFFFFFE30] =	vst.add.f32.msk $0xffff, v61  }
0x419: {  	[tilespmem:s6+$0xFFFFFEB0] =	vst.add.f32.msk $0xffff, v62  }
0x41a: {  	[tilespmem:s6+$0xFFFFFFB0] =	vst.add.f32.msk $0xffff, v63  }
0x41b: {  	v1 =	vld [tilespmem:s15+$0x16430]  }
0x41c: {  	v3 =	vld [tilespmem:s9+$0x16430]  }
0x41d: {  	v2 =	vld [tilespmem:s21+$0x16430]  }
0x41e: {  	v4 =	vld [tilespmem:s10+$0x16430]  }
0x41f: {  	v5 =	vld [tilespmem:s22+$0x16430]  }
0x420: {  	v6 =	vld [tilespmem:s8+$0x16430]  }
0x421: {  	[tilespmem:s6+$0xFFFFFF40] =	vst.add.f32.msk $0xffff, v0  }
0x422: {  	[tilespmem:s6+$0xFFFFFCC0] =	vst.add.f32.msk $0xffff, v1  }
0x423: {  	[tilespmem:s6+$0xFFFFFDC0] =	vst.add.f32.msk $0xffff, v3  }
0x424: {  	v0 =	vld [tilespmem:s14+$0x16440]  }
0x425: {  	[tilespmem:s6+$0xFFFFFD40] =	vst.add.f32.msk $0xffff, v2  }
0x426: {  	[tilespmem:s6+$0xFFFFFE40] =	vst.add.f32.msk $0xffff, v4  }
0x427: {  	[tilespmem:s6+$0xFFFFFEC0] =	vst.add.f32.msk $0xffff, v5  }
0x428: {  	[tilespmem:s6+$0xFFFFFFC0] =	vst.add.f32.msk $0xffff, v6  }
0x429: {  	v1 =	vld [tilespmem:s15+$0x16440]  }
0x42a: {  	v3 =	vld [tilespmem:s9+$0x16440]  }
0x42b: {  	v2 =	vld [tilespmem:s21+$0x16440]  }
0x42c: {  	v4 =	vld [tilespmem:s10+$0x16440]  }
0x42d: {  	[tilespmem:s6+$0xFFFFFF50] =	vst.add.f32.msk $0xffff, v0  }
0x42e: {  	v0 =	vld [tilespmem:s14+$0x16450]  }
0x42f: {  	v5 =	vld [tilespmem:s22+$0x16440]  }
0x430: {  	v6 =	vld [tilespmem:s8+$0x16440]  }
0x431: {  	[tilespmem:s6+$0xFFFFFCD0] =	vst.add.f32.msk $0xffff, v1  }
0x432: {  	[tilespmem:s6+$0xFFFFFDD0] =	vst.add.f32.msk $0xffff, v3  }
0x433: {  	[tilespmem:s6+$0xFFFFFF60] =	vst.add.f32.msk $0xffff, v0  }
0x434: {  	v0 =	vld [tilespmem:s14+$0x16460]  }
0x435: {  	[tilespmem:s6+$0xFFFFFD50] =	vst.add.f32.msk $0xffff, v2  }
0x436: {  	[tilespmem:s6+$0xFFFFFE50] =	vst.add.f32.msk $0xffff, v4  }
0x437: {  	[tilespmem:s6+$0xFFFFFED0] =	vst.add.f32.msk $0xffff, v5  }
0x438: {  	[tilespmem:s6+$0xFFFFFFD0] =	vst.add.f32.msk $0xffff, v6  }
0x439: {  	[tilespmem:s6+$0xFFFFFF70] =	vst.add.f32.msk $0xffff, v0  }
0x43a: {  	v0 =	vld [tilespmem:s14+$0x16470]  }
0x43b: {  	v1 =	vld [tilespmem:s15+$0x16450]  }
0x43c: {  	v3 =	vld [tilespmem:s9+$0x16450]  }
0x43d: {  	v2 =	vld [tilespmem:s21+$0x16450]  }
0x43e: {  	v4 =	vld [tilespmem:s10+$0x16450]  }
0x43f: {  	[tilespmem:s6+$0xFFFFFF80] =	vst.add.f32.msk $0xffff, v0  }
0x440: {  	v0 =	vld [tilespmem:s17+$0x16420]  }
0x441: {  	v5 =	vld [tilespmem:s22+$0x16450]  }
0x442: {  	v6 =	vld [tilespmem:s8+$0x16450]  }
0x443: {  	[tilespmem:s6+$0xFFFFFCE0] =	vst.add.f32.msk $0xffff, v1  }
0x444: {  	[tilespmem:s6+$0xFFFFFDE0] =	vst.add.f32.msk $0xffff, v3  }
0x445: {  	[tilespmem:s6+$0xFFFFFC30] =	vst.add.f32.msk $0xffff, v0  }
0x446: {  	v0 =	vld [tilespmem:s17+$0x16430]  }
0x447: {  	[tilespmem:s6+$0xFFFFFD60] =	vst.add.f32.msk $0xffff, v2  }
0x448: {  	[tilespmem:s6+$0xFFFFFE60] =	vst.add.f32.msk $0xffff, v4  }
0x449: {  	[tilespmem:s6+$0xFFFFFEE0] =	vst.add.f32.msk $0xffff, v5  }
0x44a: {  	[tilespmem:s6+$0xFFFFFFE0] =	vst.add.f32.msk $0xffff, v6  }
0x44b: {  	[tilespmem:s6+$0xFFFFFC40] =	vst.add.f32.msk $0xffff, v0  }
0x44c: {  	v0 =	vld [tilespmem:s17+$0x16440]  }
0x44d: {  	v1 =	vld [tilespmem:s15+$0x16460]  }
0x44e: {  	v3 =	vld [tilespmem:s9+$0x16460]  }
0x44f: {  	v2 =	vld [tilespmem:s21+$0x16460]  }
0x450: {  	v4 =	vld [tilespmem:s10+$0x16460]  }
0x451: {  	[tilespmem:s6+$0xFFFFFC50] =	vst.add.f32.msk $0xffff, v0  }
0x452: {  	v0 =	vld [tilespmem:s17+$0x16450]  }
0x453: {  	v5 =	vld [tilespmem:s22+$0x16460]  }
0x454: {  	v6 =	vld [tilespmem:s8+$0x16460]  }
0x455: {  	[tilespmem:s6+$0xFFFFFCF0] =	vst.add.f32.msk $0xffff, v1  }
0x456: {  	[tilespmem:s6+$0xFFFFFDF0] =	vst.add.f32.msk $0xffff, v3  }
0x457: {  	[tilespmem:s6+$0xFFFFFC60] =	vst.add.f32.msk $0xffff, v0  }
0x458: {  	v0 =	vld [tilespmem:s17+$0x16460]  }
0x459: {  	s23 =	sadd.s32 $0x8, s23;
	[tilespmem:s6+$0xFFFFFD70] =	vst.add.f32.msk $0xffff, v2  }
0x45a: {  	p0 =	slt.u32 s23, $0x78;
	[tilespmem:s6+$0xFFFFFE70] =	vst.add.f32.msk $0xffff, v4  }
.Ltmp3:
0x45b: {  	[tilespmem:s6+$0xFFFFFEF0] =	vst.add.f32.msk $0xffff, v5;
	(pc) =	sbr.rel @p0 .LBB2_9-.Ltmp3, $4  }
0x45c: {  	[tilespmem:s6+$0xFFFFFFF0] =	vst.add.f32.msk $0xffff, v6  }
0x45d: {  	[tilespmem:s6+$0xFFFFFC70] =	vst.add.f32.msk $0xffff, v0  }
0x45e: {  	v0 =	vld [tilespmem:s15+$0x16470]  }
0x45f: {  	v1 =	vld [tilespmem:s17+$0x16470]  }
0x460: {  	v2 =	vld [tilespmem:s21+$0x16470]  }
0x461: {  	v3 =	vld [tilespmem:s9+$0x16470]  }
0x462: {  	v4 =	vld [tilespmem:s10+$0x16470]  }
0x463: {  	v5 =	vld [tilespmem:s22+$0x16470]  }
0x464: {  	v6 =	vld [tilespmem:s8+$0x16470]  }
0x465: {  	[tilespmem:s6+$0xFFFFFD00] =	vst.add.f32.msk $0xffff, v0  }
0x466: {  	s11 =	sadd.s32 $0x1, s11;
	[tilespmem:s6+$0xFFFFFC80] =	vst.add.f32.msk $0xffff, v1  }
0x467: {  	s23 =	sadd.s32 s7, s12;
	s25 =	simm.s32 $0xC000;
	p0 =	sne.s32 s11, $0x32;
	[tilespmem:s6+$0xFFFFFD80] =	vst.add.f32.msk $0xffff, v2  }
.Ltmp4:
0x468: {  	s3 =	sadd.s32 $0x10000, s3;
	s1 =	sadd.s32 $0x200, s1;
	[tilespmem:s6+$0xFFFFFE00] =	vst.add.f32.msk $0xffff, v3;
	(pc) =	sbr.rel @p0 .LBB2_2-.Ltmp4, $4  }
0x469: {  	s0 =	sadd.s32 $0x200, s0;
	s13 =	sadd.s32 $0x10000, s13;
	s31 =	sadd.s32 $0x200, s31;
	[tilespmem:s6+$0xFFFFFE80] =	vst.add.f32.msk $0xffff, v4  }
0x46a: {  	s28 =	sadd.s32 $0x10000, s28;
	s30 =	sadd.s32 $0x200, s30;
	s8 =	sshll.u32 s23, $0x4;
	[tilespmem:s6+$0xFFFFFF00] =	vst.add.f32.msk $0xffff, v5  }
0x46b: {  	s29 =	sadd.s32 $0x10000, s29;
	s19 =	simm.s32 $0x80;
	s24 =	sadd.s32 s4, s8;
	[tilespmem:s6+$0x0] =	vst.add.f32.msk $0xffff, v6  }
0x46c: {  	[hbm4b:s24+s5] =	stream.linear.scatter [tilespmem:s25], [sflag:$0x8], $0x4000, $0x38;
	[tilespmem:$0x1C800] =	vst v63  }
0x46d: {  	s0 =	simm.s32 $0x5  }
0x46e: {  	_ =	swait.ge [sflag:s0], $0x4000  }
0x46f: {  	[sflag:s0] =	ssyncset.done $0x0  }
0x470: {  	s29 =	simm.s32 $0x6;
	[sflag:s0] =	ssyncadd.s32 $0xFFFFC000  }
0x471: {  	_ =	swait.ge [sflag:s29], $0x4000  }
0x472: {  	[sflag:s29] =	ssyncset.done $0x0  }
0x473: {  	s30 =	simm.s32 $0x7;
	[sflag:s29] =	ssyncadd.s32 $0xFFFFC000  }
0x474: {  	_ =	swait.ge [sflag:s30], $0x4000  }
0x475: {  	[sflag:s30] =	ssyncset.done $0x0  }
0x476: {  	s1 =	simm.s32 $0x8;
	[sflag:s30] =	ssyncadd.s32 $0xFFFFC000  }
0x477: {  	_ =	swait.ge [sflag:s1], $0x4000  }
0x478: {  	s3 =	rddreg [dreg:$0x10]  }
0x479: {  	s31 =	rddreg [dreg:$0xf];
	s3 =	sadd.s32 $0x1, s3  }
0x47a: {  	p0 =	sne.s32 s3, s31  }
.Ltmp5:
0x47b: {  	_ = 	snop;
	(pc) =	sbr.rel @p0 .LBB2_1-.Ltmp5, $3  }
0x47c: {  	_ =	sdelay $0x1  }
0x47d: {  	[sflag:s1] =	ssyncset.done $0x0  }
0x47e: {  	[sflag:s1] =	ssyncadd.s32 $0xFFFFC000  }
0x47f: {  	_ =	sfence.sel $0x180000  }
0x480: {  	[bflag:$0x0] =	sbarrier.arrive $0xFFFF  }
0x481: {  	_ =	strace $0x90000047  }
0x482: {  	s0 =	stileid.u32;
	[bflag:$0x2] =	sbarrier.arrive $0xFFFF  }
0x483: {  	p0 =	sne.s32 s0, $0x0;
	s0 =	rddreg [dreg:$0x4]  }
0x484: {  	s0 =	sadd.s32 @!p0 $0x100000, s0  }
0x485: {  	[sflag:s0] =	ssyncadd.tile.s32 @!p0 $0x1;
	_ =	shalt  }
.Lfunc_end2:
_tile_overlayer_lowered:
.L_overlay_start_2:
0x486: {  	(tag) =	ssettag $0x2  }
0x487: {  	s0 =	rddreg [dreg:$0x0];
	s2 =	stileid.u32  }
0x488: {  	s1 =	rddreg [dreg:$0x1];
	p0 =	sne.s32 s2, $0x0  }
0x489: {  	s3 =	rddreg [dreg:$0x2];
	[bflag:$0x3] =	sbarrier.arrive $0xFFFF;
	s2 =	simm.s32 @!p0 $0x1C09  }
0x48a: {  	[timem:s3], [sflag:s2] =	dma.local @!p0 [hbm:s0], s1  }
0x48b: {  	s0 =	simm.s32 @!p0 $0x9  }
0x48c: {  	_ =	swait.ge @!p0 [sflag:s0], s1  }
0x48d: {  	s1 =	ssub.s32 @!p0 $0x0, s1;
	[sflag:s0] =	ssyncset.done @!p0 $0x0  }
0x48e: {  	[sflag:s0] =	ssyncadd.s32 @!p0 s1  }
0x48f: {  	[bflag:$0x3] =	sbarrier.arrive $0xFFFF  }
0x490: {  	_ =	shalt  }

</sc_bundles>
